<compile_context>
chip_gen: v7x
topology: tpu7x:2x2x1
jax: 0.10.2.dev20260603
libtpu: 0.0.44.dev20260713+nightly
codegen_flags: <defaults>
</compile_context>

<pallas_src>
import jax
import jax.numpy as jnp
from jax import lax
from jax.experimental import pallas as pl
from jax.experimental.pallas import tpu as pltpu
from jax.experimental.pallas import tpu_sc as plsc

_B = 16
_K = 8192
_KNN = 16
_L = 16
_NROWS = _KNN // 2


def _table_body(advt_ref, orit_ref, out_ref):
    d = advt_ref[...] - orit_ref[...]
    out_ref[...] = jnp.sum(d * d, axis=0)


def _worker_body(tab_h, idx_h, w_h, out_h,
                 idx0, idx1, table, wv, outv, semt, sem0, sem1):
    c = lax.axis_index("c")
    s = lax.axis_index("s")
    b = s
    row = s * 2 + c
    nbase = c * _NROWS

    ht = pltpu.async_copy(tab_h.at[b], table, semt)

    bufs = (idx0, idx1)
    sems = (sem0, sem1)

    def start_chunk(ci, slot):
        return pltpu.async_copy(idx_h.at[b, nbase + ci], bufs[slot], sems[slot])

    h = [start_chunk(0, 0), start_chunk(1, 1)]
    pltpu.sync_copy(w_h.at[b], wv)
    ht.wait()

    zero = jnp.zeros((_L,), jnp.float32)
    accs = (zero, zero, zero, zero)

    def make_gbody(buf):
        def gbody(i, a):
            base = pl.multiple_of(i * 4 * _L, 4 * _L)
            r0 = a[0] + plsc.load_gather(table, [buf[pl.ds(base, _L)]])
            r1 = a[1] + plsc.load_gather(table, [buf[pl.ds(base + _L, _L)]])
            r2 = a[2] + plsc.load_gather(table, [buf[pl.ds(base + 2 * _L, _L)]])
            r3 = a[3] + plsc.load_gather(table, [buf[pl.ds(base + 3 * _L, _L)]])
            return (r0, r1, r2, r3)
        return gbody

    for ci in range(_NROWS):
        slot = ci % 2
        h[slot].wait()
        accs = lax.fori_loop(0, _K // (4 * _L), make_gbody(bufs[slot]),
                             accs, unroll=2)
        if ci + 2 < _NROWS:
            h[slot] = start_chunk(ci + 2, slot)

    acc = (accs[0] + accs[1]) + (accs[2] + accs[3])
    outv[...] = acc * wv[...]
    pltpu.sync_copy(outv, out_h.at[row])


@jax.jit
def _sc_call(advt, orit, idxt, w2d):
    table = pl.pallas_call(
        _table_body,
        out_shape=jax.ShapeDtypeStruct((_B, _K), jnp.float32),
    )(advt, orit)

    mesh = plsc.VectorSubcoreMesh(core_axis_name="c", subcore_axis_name="s")
    f = pl.kernel(
        _worker_body,
        out_type=jax.ShapeDtypeStruct((2 * _B, _L), jnp.float32),
        mesh=mesh,
        compiler_params=pltpu.CompilerParams(needs_layout_passes=False),
        scratch_types=[
            pltpu.VMEM((_K,), jnp.int32),
            pltpu.VMEM((_K,), jnp.int32),
            pltpu.VMEM((_K,), jnp.float32),
            pltpu.VMEM((_L,), jnp.float32),
            pltpu.VMEM((_L,), jnp.float32),
            pltpu.SemaphoreType.DMA,
            pltpu.SemaphoreType.DMA,
            pltpu.SemaphoreType.DMA,
        ],
    )
    return f(table, idxt, w2d)


def kernel(adv_pc, ori_pc, nearest_indices, weights):
    advt = jnp.transpose(adv_pc, (1, 0, 2))
    orit = jnp.transpose(ori_pc, (1, 0, 2))
    idxt = jnp.transpose(nearest_indices.astype(jnp.int32), (0, 2, 1))
    w2d = jnp.broadcast_to(
        (weights.astype(jnp.float32) / _B)[:, None], (_B, _L)
    )
    partials = _sc_call(advt, orit, idxt, w2d)
    return jnp.sum(partials)

# --- scband reference (transcript-rebuilt; emitter-appended) ---
"""Pipeline reference for scband-laplacian-dist-24790551233436 (READ-ONLY COPY).

The authoritative reference and input builder live on the scoring server;
editing this copy changes nothing except your own understanding.
"""

import jax, jax.numpy as jnp
import numpy as np

B, K, KNN = 16, 8192, 16

def setup_inputs(seed: int = 0) -> dict:
    key = jax.random.key(seed)
    k1, k2, k3, k4 = jax.random.split(key, 4)
    adv_pc = jax.random.normal(k1, (B, 3, K), dtype=jnp.float32)
    ori_pc = jax.random.normal(k2, (B, 3, K), dtype=jnp.float32)
    nearest_indices = jax.random.randint(k3, (B, K, KNN), 0, K)
    weights = jax.random.uniform(k4, (B,), dtype=jnp.float32)
    return {"adv_pc": adv_pc, "ori_pc": ori_pc, "nearest_indices": nearest_indices, "weights": weights}

def reference(adv_pc, ori_pc, nearest_indices, weights):
    Bq, _, Kq = adv_pc.shape
    knn = nearest_indices.shape[2]
    # delta: [B, 3, K]
    delta = adv_pc - ori_pc
    # expand to [B, 3, K, knn] like torch unsqueeze(3).expand
    delta_exp = jnp.broadcast_to(delta[:, :, :, None], (Bq, 3, Kq, knn))
    # index expanded to [B, 3, K, knn] like torch unsqueeze(1).expand
    idx = jnp.broadcast_to(nearest_indices[:, None, :, :], (Bq, 3, Kq, knn))
    # torch.gather(delta, 2, idx) == take_along_axis on axis 2
    neighboring_points = jnp.take_along_axis(delta_exp, idx, axis=2)
    # torch.norm(..., dim=1) ** 2
    norm_squared = jnp.linalg.norm(neighboring_points, axis=1) ** 2
    dist = jnp.sum(norm_squared, axis=(1, 2))
    dist = dist * weights.astype(jnp.float32)
    # batch_avg=True
    return dist.mean()

if __name__ == "__main__":
    import jax
    _d = setup_inputs()
    print(jax.jit(kernel)(*tuple(_d.values())))

</pallas_src>

<mosaic_0001>
#map = affine_map<(d0, d1) -> (0, 0)>
#map1 = affine_map<(d0, d1) -> (0, 0, 0)>
module attributes {stable_mosaic.version = 14 : i64} {
  func.func @_worker_body(%arg0: i32, %arg1: i32, %arg2: memref<16x8192xf32, #tpu.memory_space<hbm>>, %arg3: memref<16x16x8192xi32, #tpu.memory_space<hbm>>, %arg4: memref<16x16xf32, #tpu.memory_space<hbm>>, %arg5: memref<32x16xf32, #tpu.memory_space<hbm>>, %arg6: memref<8192xi32, #tpu.memory_space<vmem>>, %arg7: memref<8192xi32, #tpu.memory_space<vmem>>, %arg8: memref<8192xf32, #tpu.memory_space<vmem>>, %arg9: memref<16xf32, #tpu.memory_space<vmem>>, %arg10: memref<16xf32, #tpu.memory_space<vmem>>, %arg11: memref<!tpu.dma_semaphore, #tpu.memory_space<semaphore_mem>>, %arg12: memref<!tpu.dma_semaphore, #tpu.memory_space<semaphore_mem>>, %arg13: memref<!tpu.dma_semaphore, #tpu.memory_space<semaphore_mem>>) attributes {dimension_semantics = [#tpu.dimension_semantics<core_parallel>, #tpu.dimension_semantics<subcore_parallel>], iteration_bounds = array<i64: 2, 16>, scalar_prefetch = 0 : i64, scratch_operands = 8 : i64, tpu.core_type = #tpu.core_type<sc_vector_subcore>, window_params = [{transform_indices = #map}, {transform_indices = #map1}, {transform_indices = #map}, {transform_indices = #map}]} {
    %mul3A = arith.constant 2 : i32
    %mul3A_0 = arith.muli %arg1, %mul3A : i32
    %add3A = arith.addi %mul3A_0, %arg0 : i32
    %mul3A_1 = arith.constant 8 : i32
    %mul3A_2 = arith.muli %arg0, %mul3A_1 : i32
    %dma_start3A = arith.constant 0 : i32
    %dma_start3A_3 = tpu.memref_slice %arg2[%arg1, %dma_start3A] : memref<16x8192xf32, #tpu.memory_space<hbm>> -> memref<1x8192xf32, #tpu.memory_space<hbm>>
    %dma_start3A_4 = tpu.memref_squeeze %dma_start3A_3 : memref<1x8192xf32, #tpu.memory_space<hbm>> -> memref<8192xf32, #tpu.memory_space<hbm>>
    %dma_start3A_5 = arith.constant 0 : i32
    %dma_start3A_6 = tpu.memref_slice %arg2[%arg1, %dma_start3A_5] : memref<16x8192xf32, #tpu.memory_space<hbm>> -> memref<1x8192xf32, #tpu.memory_space<hbm>>
    %dma_start3A_7 = tpu.memref_squeeze %dma_start3A_6 : memref<1x8192xf32, #tpu.memory_space<hbm>> -> memref<8192xf32, #tpu.memory_space<hbm>>
    tpu.enqueue_dma source(%dma_start3A_7 : memref<8192xf32, #tpu.memory_space<hbm>>) target(%arg8 : memref<8192xf32, #tpu.memory_space<vmem>>) target_semaphore(%arg11 : memref<!tpu.dma_semaphore, #tpu.memory_space<semaphore_mem>>)
    %add3A_8 = arith.constant 0 : i32
    %add3A_9 = arith.addi %mul3A_2, %add3A_8 : i32
    %dma_start3A_10 = arith.constant 0 : i32
    %dma_start3A_11 = tpu.memref_slice %arg3[%arg1, %add3A_9, %dma_start3A_10] : memref<16x16x8192xi32, #tpu.memory_space<hbm>> -> memref<1x1x8192xi32, #tpu.memory_space<hbm>>
    %dma_start3A_12 = tpu.memref_squeeze %dma_start3A_11 : memref<1x1x8192xi32, #tpu.memory_space<hbm>> -> memref<8192xi32, #tpu.memory_space<hbm>>
    %dma_start3A_13 = arith.constant 0 : i32
    %dma_start3A_14 = tpu.memref_slice %arg3[%arg1, %add3A_9, %dma_start3A_13] : memref<16x16x8192xi32, #tpu.memory_space<hbm>> -> memref<1x1x8192xi32, #tpu.memory_space<hbm>>
    %dma_start3A_15 = tpu.memref_squeeze %dma_start3A_14 : memref<1x1x8192xi32, #tpu.memory_space<hbm>> -> memref<8192xi32, #tpu.memory_space<hbm>>
    tpu.enqueue_dma source(%dma_start3A_15 : memref<8192xi32, #tpu.memory_space<hbm>>) target(%arg6 : memref<8192xi32, #tpu.memory_space<vmem>>) target_semaphore(%arg12 : memref<!tpu.dma_semaphore, #tpu.memory_space<semaphore_mem>>)
    %add3A_16 = arith.constant 1 : i32
    %add3A_17 = arith.addi %mul3A_2, %add3A_16 : i32
    %dma_start3A_18 = arith.constant 0 : i32
    %dma_start3A_19 = tpu.memref_slice %arg3[%arg1, %add3A_17, %dma_start3A_18] : memref<16x16x8192xi32, #tpu.memory_space<hbm>> -> memref<1x1x8192xi32, #tpu.memory_space<hbm>>
    %dma_start3A_20 = tpu.memref_squeeze %dma_start3A_19 : memref<1x1x8192xi32, #tpu.memory_space<hbm>> -> memref<8192xi32, #tpu.memory_space<hbm>>
    %dma_start3A_21 = arith.constant 0 : i32
    %dma_start3A_22 = tpu.memref_slice %arg3[%arg1, %add3A_17, %dma_start3A_21] : memref<16x16x8192xi32, #tpu.memory_space<hbm>> -> memref<1x1x8192xi32, #tpu.memory_space<hbm>>
    %dma_start3A_23 = tpu.memref_squeeze %dma_start3A_22 : memref<1x1x8192xi32, #tpu.memory_space<hbm>> -> memref<8192xi32, #tpu.memory_space<hbm>>
    tpu.enqueue_dma source(%dma_start3A_23 : memref<8192xi32, #tpu.memory_space<hbm>>) target(%arg7 : memref<8192xi32, #tpu.memory_space<vmem>>) target_semaphore(%arg13 : memref<!tpu.dma_semaphore, #tpu.memory_space<semaphore_mem>>)
    "tpu.region"() ({
      %run_scoped3A = tpu.sem_alloc : memref<!tpu.dma_semaphore, #tpu.memory_space<semaphore_mem>>
      %dma_start3A_179 = arith.constant 0 : i32
      %dma_start3A_180 = tpu.memref_slice %arg4[%arg1, %dma_start3A_179] : memref<16x16xf32, #tpu.memory_space<hbm>> -> memref<1x16xf32, #tpu.memory_space<hbm>>
      %dma_start3A_181 = tpu.memref_squeeze %dma_start3A_180 : memref<1x16xf32, #tpu.memory_space<hbm>> -> memref<16xf32, #tpu.memory_space<hbm>>
      %dma_start3A_182 = arith.constant 0 : i32
      %dma_start3A_183 = tpu.memref_slice %arg4[%arg1, %dma_start3A_182] : memref<16x16xf32, #tpu.memory_space<hbm>> -> memref<1x16xf32, #tpu.memory_space<hbm>>
      %dma_start3A_184 = tpu.memref_squeeze %dma_start3A_183 : memref<1x16xf32, #tpu.memory_space<hbm>> -> memref<16xf32, #tpu.memory_space<hbm>>
      tpu.enqueue_dma source(%dma_start3A_184 : memref<16xf32, #tpu.memory_space<hbm>>) target(%arg9 : memref<16xf32, #tpu.memory_space<vmem>>) target_semaphore(%run_scoped3A : memref<!tpu.dma_semaphore, #tpu.memory_space<semaphore_mem>>)
      %dma_wait3A_185 = arith.constant 0 : i32
      %dma_wait3A_186 = tpu.memref_slice %arg4[%arg1, %dma_wait3A_185] : memref<16x16xf32, #tpu.memory_space<hbm>> -> memref<1x16xf32, #tpu.memory_space<hbm>>
      %dma_wait3A_187 = tpu.memref_squeeze %dma_wait3A_186 : memref<1x16xf32, #tpu.memory_space<hbm>> -> memref<16xf32, #tpu.memory_space<hbm>>
      %dma_wait3A_188 = arith.constant 0 : i32
      %dma_wait3A_189 = tpu.memref_slice %arg4[%arg1, %dma_wait3A_188] : memref<16x16xf32, #tpu.memory_space<hbm>> -> memref<1x16xf32, #tpu.memory_space<hbm>>
      %dma_wait3A_190 = tpu.memref_squeeze %dma_wait3A_189 : memref<1x16xf32, #tpu.memory_space<hbm>> -> memref<16xf32, #tpu.memory_space<hbm>>
      tpu.wait_dma2 semaphore(%run_scoped3A : memref<!tpu.dma_semaphore, #tpu.memory_space<semaphore_mem>>) src(%dma_wait3A_190 : memref<16xf32, #tpu.memory_space<hbm>>) dst(%arg9 : memref<16xf32, #tpu.memory_space<vmem>>)
      tpu.yield
    }) : () -> ()
    %dma_wait3A = arith.constant 0 : i32
    %dma_wait3A_24 = tpu.memref_slice %arg2[%arg1, %dma_wait3A] : memref<16x8192xf32, #tpu.memory_space<hbm>> -> memref<1x8192xf32, #tpu.memory_space<hbm>>
    %dma_wait3A_25 = tpu.memref_squeeze %dma_wait3A_24 : memref<1x8192xf32, #tpu.memory_space<hbm>> -> memref<8192xf32, #tpu.memory_space<hbm>>
    %dma_wait3A_26 = arith.constant 0 : i32
    %dma_wait3A_27 = tpu.memref_slice %arg2[%arg1, %dma_wait3A_26] : memref<16x8192xf32, #tpu.memory_space<hbm>> -> memref<1x8192xf32, #tpu.memory_space<hbm>>
    %dma_wait3A_28 = tpu.memref_squeeze %dma_wait3A_27 : memref<1x8192xf32, #tpu.memory_space<hbm>> -> memref<8192xf32, #tpu.memory_space<hbm>>
    tpu.wait_dma2 semaphore(%arg11 : memref<!tpu.dma_semaphore, #tpu.memory_space<semaphore_mem>>) src(%dma_wait3A_28 : memref<8192xf32, #tpu.memory_space<hbm>>) dst(%arg8 : memref<8192xf32, #tpu.memory_space<vmem>>)
    %broadcast_in_dim3A = arith.constant 0.000000e+00 : f32
    %broadcast_in_dim3A_29 = vector.broadcast %broadcast_in_dim3A : f32 to vector<16xf32>
    %dma_wait3A_30 = arith.constant 0 : i32
    %dma_wait3A_31 = tpu.memref_slice %arg3[%arg1, %add3A_9, %dma_wait3A_30] : memref<16x16x8192xi32, #tpu.memory_space<hbm>> -> memref<1x1x8192xi32, #tpu.memory_space<hbm>>
    %dma_wait3A_32 = tpu.memref_squeeze %dma_wait3A_31 : memref<1x1x8192xi32, #tpu.memory_space<hbm>> -> memref<8192xi32, #tpu.memory_space<hbm>>
    %dma_wait3A_33 = arith.constant 0 : i32
    %dma_wait3A_34 = tpu.memref_slice %arg3[%arg1, %add3A_9, %dma_wait3A_33] : memref<16x16x8192xi32, #tpu.memory_space<hbm>> -> memref<1x1x8192xi32, #tpu.memory_space<hbm>>
    %dma_wait3A_35 = tpu.memref_squeeze %dma_wait3A_34 : memref<1x1x8192xi32, #tpu.memory_space<hbm>> -> memref<8192xi32, #tpu.memory_space<hbm>>
    tpu.wait_dma2 semaphore(%arg12 : memref<!tpu.dma_semaphore, #tpu.memory_space<semaphore_mem>>) src(%dma_wait3A_35 : memref<8192xi32, #tpu.memory_space<hbm>>) dst(%arg6 : memref<8192xi32, #tpu.memory_space<vmem>>)
    %scan3A = arith.constant 0 : i32
    %scan3A_36 = arith.constant 128 : i32
    %scan3A_37 = arith.addi %scan3A, %scan3A_36 : i32
    %scan3A_38 = arith.constant 2 : i32
    %scan3A_39:4 = scf.for %scan3A_179 = %scan3A to %scan3A_37 step %scan3A_38 iter_args(%scan3A_180 = %broadcast_in_dim3A_29, %scan3A_181 = %broadcast_in_dim3A_29, %scan3A_182 = %broadcast_in_dim3A_29, %scan3A_183 = %broadcast_in_dim3A_29) -> (vector<16xf32>, vector<16xf32>, vector<16xf32>, vector<16xf32>)  : i32 {
      %mul3A_184 = arith.constant 4 : i32
      %mul3A_185 = arith.muli %scan3A_179, %mul3A_184 : i32
      %mul3A_186 = arith.constant 16 : i32
      %mul3A_187 = arith.muli %mul3A_185, %mul3A_186 : i32
      %multiple_of3A = tpu.assume_multiple %mul3A_187, 64 : i32
      %get3A_188 = arith.index_cast %multiple_of3A : i32 to index
      %get3A_189 = tpu.vector_load %arg6[%get3A_188] {strides = array<i32>} : memref<8192xi32, #tpu.memory_space<vmem>>, vector<16xi32>,
      %gather3A = tpu.vector_load_idx %arg8[%get3A_189] : memref<8192xf32, #tpu.memory_space<vmem>>[vector<16xi32>], vector<16xf32>,
      %add3A_190 = arith.addf %scan3A_180, %gather3A : vector<16xf32>
      %add3A_191 = arith.constant 16 : i32
      %add3A_192 = arith.addi %multiple_of3A, %add3A_191 : i32
      %get3A_193 = arith.index_cast %add3A_192 : i32 to index
      %get3A_194 = tpu.vector_load %arg6[%get3A_193] {strides = array<i32>} : memref<8192xi32, #tpu.memory_space<vmem>>, vector<16xi32>,
      %gather3A_195 = tpu.vector_load_idx %arg8[%get3A_194] : memref<8192xf32, #tpu.memory_space<vmem>>[vector<16xi32>], vector<16xf32>,
      %add3A_196 = arith.addf %scan3A_181, %gather3A_195 : vector<16xf32>
      %add3A_197 = arith.constant 32 : i32
      %add3A_198 = arith.addi %multiple_of3A, %add3A_197 : i32
      %get3A_199 = arith.index_cast %add3A_198 : i32 to index
      %get3A_200 = tpu.vector_load %arg6[%get3A_199] {strides = array<i32>} : memref<8192xi32, #tpu.memory_space<vmem>>, vector<16xi32>,
      %gather3A_201 = tpu.vector_load_idx %arg8[%get3A_200] : memref<8192xf32, #tpu.memory_space<vmem>>[vector<16xi32>], vector<16xf32>,
      %add3A_202 = arith.addf %scan3A_182, %gather3A_201 : vector<16xf32>
      %add3A_203 = arith.constant 48 : i32
      %add3A_204 = arith.addi %multiple_of3A, %add3A_203 : i32
      %get3A_205 = arith.index_cast %add3A_204 : i32 to index
      %get3A_206 = tpu.vector_load %arg6[%get3A_205] {strides = array<i32>} : memref<8192xi32, #tpu.memory_space<vmem>>, vector<16xi32>,
      %gather3A_207 = tpu.vector_load_idx %arg8[%get3A_206] : memref<8192xf32, #tpu.memory_space<vmem>>[vector<16xi32>], vector<16xf32>,
      %add3A_208 = arith.addf %scan3A_183, %gather3A_207 : vector<16xf32>
      %scan3A_209 = arith.constant 1 : i32
      %scan3A_210 = arith.addi %scan3A_179, %scan3A_209 : i32
      %mul3A_211 = arith.constant 4 : i32
      %mul3A_212 = arith.muli %scan3A_210, %mul3A_211 : i32
      %mul3A_213 = arith.constant 16 : i32
      %mul3A_214 = arith.muli %mul3A_212, %mul3A_213 : i32
      %multiple_of3A_215 = tpu.assume_multiple %mul3A_214, 64 : i32
      %get3A_216 = arith.index_cast %multiple_of3A_215 : i32 to index
      %get3A_217 = tpu.vector_load %arg6[%get3A_216] {strides = array<i32>} : memref<8192xi32, #tpu.memory_space<vmem>>, vector<16xi32>,
      %gather3A_218 = tpu.vector_load_idx %arg8[%get3A_217] : memref<8192xf32, #tpu.memory_space<vmem>>[vector<16xi32>], vector<16xf32>,
      %add3A_219 = arith.addf %add3A_190, %gather3A_218 : vector<16xf32>
      %add3A_220 = arith.constant 16 : i32
      %add3A_221 = arith.addi %multiple_of3A_215, %add3A_220 : i32
      %get3A_222 = arith.index_cast %add3A_221 : i32 to index
      %get3A_223 = tpu.vector_load %arg6[%get3A_222] {strides = array<i32>} : memref<8192xi32, #tpu.memory_space<vmem>>, vector<16xi32>,
      %gather3A_224 = tpu.vector_load_idx %arg8[%get3A_223] : memref<8192xf32, #tpu.memory_space<vmem>>[vector<16xi32>], vector<16xf32>,
      %add3A_225 = arith.addf %add3A_196, %gather3A_224 : vector<16xf32>
      %add3A_226 = arith.constant 32 : i32
      %add3A_227 = arith.addi %multiple_of3A_215, %add3A_226 : i32
      %get3A_228 = arith.index_cast %add3A_227 : i32 to index
      %get3A_229 = tpu.vector_load %arg6[%get3A_228] {strides = array<i32>} : memref<8192xi32, #tpu.memory_space<vmem>>, vector<16xi32>,
      %gather3A_230 = tpu.vector_load_idx %arg8[%get3A_229] : memref<8192xf32, #tpu.memory_space<vmem>>[vector<16xi32>], vector<16xf32>,
      %add3A_231 = arith.addf %add3A_202, %gather3A_230 : vector<16xf32>
      %add3A_232 = arith.constant 48 : i32
      %add3A_233 = arith.addi %multiple_of3A_215, %add3A_232 : i32
      %get3A_234 = arith.index_cast %add3A_233 : i32 to index
      %get3A_235 = tpu.vector_load %arg6[%get3A_234] {strides = array<i32>} : memref<8192xi32, #tpu.memory_space<vmem>>, vector<16xi32>,
      %gather3A_236 = tpu.vector_load_idx %arg8[%get3A_235] : memref<8192xf32, #tpu.memory_space<vmem>>[vector<16xi32>], vector<16xf32>,
      %add3A_237 = arith.addf %add3A_208, %gather3A_236 : vector<16xf32>
      scf.yield %add3A_219, %add3A_225, %add3A_231, %add3A_237 : vector<16xf32>, vector<16xf32>, vector<16xf32>, vector<16xf32>
    }
    %scan3A_40 = arith.constant 128 : i32
    %add3A_41 = arith.constant 2 : i32
    %add3A_42 = arith.addi %mul3A_2, %add3A_41 : i32
    %dma_start3A_43 = arith.constant 0 : i32
    %dma_start3A_44 = tpu.memref_slice %arg3[%arg1, %add3A_42, %dma_start3A_43] : memref<16x16x8192xi32, #tpu.memory_space<hbm>> -> memref<1x1x8192xi32, #tpu.memory_space<hbm>>
    %dma_start3A_45 = tpu.memref_squeeze %dma_start3A_44 : memref<1x1x8192xi32, #tpu.memory_space<hbm>> -> memref<8192xi32, #tpu.memory_space<hbm>>
    %dma_start3A_46 = arith.constant 0 : i32
    %dma_start3A_47 = tpu.memref_slice %arg3[%arg1, %add3A_42, %dma_start3A_46] : memref<16x16x8192xi32, #tpu.memory_space<hbm>> -> memref<1x1x8192xi32, #tpu.memory_space<hbm>>
    %dma_start3A_48 = tpu.memref_squeeze %dma_start3A_47 : memref<1x1x8192xi32, #tpu.memory_space<hbm>> -> memref<8192xi32, #tpu.memory_space<hbm>>
    tpu.enqueue_dma source(%dma_start3A_48 : memref<8192xi32, #tpu.memory_space<hbm>>) target(%arg6 : memref<8192xi32, #tpu.memory_space<vmem>>) target_semaphore(%arg12 : memref<!tpu.dma_semaphore, #tpu.memory_space<semaphore_mem>>)
    %dma_wait3A_49 = arith.constant 0 : i32
    %dma_wait3A_50 = tpu.memref_slice %arg3[%arg1, %add3A_17, %dma_wait3A_49] : memref<16x16x8192xi32, #tpu.memory_space<hbm>> -> memref<1x1x8192xi32, #tpu.memory_space<hbm>>
    %dma_wait3A_51 = tpu.memref_squeeze %dma_wait3A_50 : memref<1x1x8192xi32, #tpu.memory_space<hbm>> -> memref<8192xi32, #tpu.memory_space<hbm>>
    %dma_wait3A_52 = arith.constant 0 : i32
    %dma_wait3A_53 = tpu.memref_slice %arg3[%arg1, %add3A_17, %dma_wait3A_52] : memref<16x16x8192xi32, #tpu.memory_space<hbm>> -> memref<1x1x8192xi32, #tpu.memory_space<hbm>>
    %dma_wait3A_54 = tpu.memref_squeeze %dma_wait3A_53 : memref<1x1x8192xi32, #tpu.memory_space<hbm>> -> memref<8192xi32, #tpu.memory_space<hbm>>
    tpu.wait_dma2 semaphore(%arg13 : memref<!tpu.dma_semaphore, #tpu.memory_space<semaphore_mem>>) src(%dma_wait3A_54 : memref<8192xi32, #tpu.memory_space<hbm>>) dst(%arg7 : memref<8192xi32, #tpu.memory_space<vmem>>)
    %scan3A_55 = arith.constant 0 : i32
    %scan3A_56 = arith.constant 128 : i32
    %scan3A_57 = arith.addi %scan3A_55, %scan3A_56 : i32
    %scan3A_58 = arith.constant 2 : i32
    %scan3A_59:4 = scf.for %scan3A_179 = %scan3A_55 to %scan3A_57 step %scan3A_58 iter_args(%scan3A_180 = %scan3A_39#0, %scan3A_181 = %scan3A_39#1, %scan3A_182 = %scan3A_39#2, %scan3A_183 = %scan3A_39#3) -> (vector<16xf32>, vector<16xf32>, vector<16xf32>, vector<16xf32>)  : i32 {
      %mul3A_184 = arith.constant 4 : i32
      %mul3A_185 = arith.muli %scan3A_179, %mul3A_184 : i32
      %mul3A_186 = arith.constant 16 : i32
      %mul3A_187 = arith.muli %mul3A_185, %mul3A_186 : i32
      %multiple_of3A = tpu.assume_multiple %mul3A_187, 64 : i32
      %get3A_188 = arith.index_cast %multiple_of3A : i32 to index
      %get3A_189 = tpu.vector_load %arg7[%get3A_188] {strides = array<i32>} : memref<8192xi32, #tpu.memory_space<vmem>>, vector<16xi32>,
      %gather3A = tpu.vector_load_idx %arg8[%get3A_189] : memref<8192xf32, #tpu.memory_space<vmem>>[vector<16xi32>], vector<16xf32>,
      %add3A_190 = arith.addf %scan3A_180, %gather3A : vector<16xf32>
      %add3A_191 = arith.constant 16 : i32
      %add3A_192 = arith.addi %multiple_of3A, %add3A_191 : i32
      %get3A_193 = arith.index_cast %add3A_192 : i32 to index
      %get3A_194 = tpu.vector_load %arg7[%get3A_193] {strides = array<i32>} : memref<8192xi32, #tpu.memory_space<vmem>>, vector<16xi32>,
      %gather3A_195 = tpu.vector_load_idx %arg8[%get3A_194] : memref<8192xf32, #tpu.memory_space<vmem>>[vector<16xi32>], vector<16xf32>,
      %add3A_196 = arith.addf %scan3A_181, %gather3A_195 : vector<16xf32>
      %add3A_197 = arith.constant 32 : i32
      %add3A_198 = arith.addi %multiple_of3A, %add3A_197 : i32
      %get3A_199 = arith.index_cast %add3A_198 : i32 to index
      %get3A_200 = tpu.vector_load %arg7[%get3A_199] {strides = array<i32>} : memref<8192xi32, #tpu.memory_space<vmem>>, vector<16xi32>,
      %gather3A_201 = tpu.vector_load_idx %arg8[%get3A_200] : memref<8192xf32, #tpu.memory_space<vmem>>[vector<16xi32>], vector<16xf32>,
      %add3A_202 = arith.addf %scan3A_182, %gather3A_201 : vector<16xf32>
      %add3A_203 = arith.constant 48 : i32
      %add3A_204 = arith.addi %multiple_of3A, %add3A_203 : i32
      %get3A_205 = arith.index_cast %add3A_204 : i32 to index
      %get3A_206 = tpu.vector_load %arg7[%get3A_205] {strides = array<i32>} : memref<8192xi32, #tpu.memory_space<vmem>>, vector<16xi32>,
      %gather3A_207 = tpu.vector_load_idx %arg8[%get3A_206] : memref<8192xf32, #tpu.memory_space<vmem>>[vector<16xi32>], vector<16xf32>,
      %add3A_208 = arith.addf %scan3A_183, %gather3A_207 : vector<16xf32>
      %scan3A_209 = arith.constant 1 : i32
      %scan3A_210 = arith.addi %scan3A_179, %scan3A_209 : i32
      %mul3A_211 = arith.constant 4 : i32
      %mul3A_212 = arith.muli %scan3A_210, %mul3A_211 : i32
      %mul3A_213 = arith.constant 16 : i32
      %mul3A_214 = arith.muli %mul3A_212, %mul3A_213 : i32
      %multiple_of3A_215 = tpu.assume_multiple %mul3A_214, 64 : i32
      %get3A_216 = arith.index_cast %multiple_of3A_215 : i32 to index
      %get3A_217 = tpu.vector_load %arg7[%get3A_216] {strides = array<i32>} : memref<8192xi32, #tpu.memory_space<vmem>>, vector<16xi32>,
      %gather3A_218 = tpu.vector_load_idx %arg8[%get3A_217] : memref<8192xf32, #tpu.memory_space<vmem>>[vector<16xi32>], vector<16xf32>,
      %add3A_219 = arith.addf %add3A_190, %gather3A_218 : vector<16xf32>
      %add3A_220 = arith.constant 16 : i32
      %add3A_221 = arith.addi %multiple_of3A_215, %add3A_220 : i32
      %get3A_222 = arith.index_cast %add3A_221 : i32 to index
      %get3A_223 = tpu.vector_load %arg7[%get3A_222] {strides = array<i32>} : memref<8192xi32, #tpu.memory_space<vmem>>, vector<16xi32>,
      %gather3A_224 = tpu.vector_load_idx %arg8[%get3A_223] : memref<8192xf32, #tpu.memory_space<vmem>>[vector<16xi32>], vector<16xf32>,
      %add3A_225 = arith.addf %add3A_196, %gather3A_224 : vector<16xf32>
      %add3A_226 = arith.constant 32 : i32
      %add3A_227 = arith.addi %multiple_of3A_215, %add3A_226 : i32
      %get3A_228 = arith.index_cast %add3A_227 : i32 to index
      %get3A_229 = tpu.vector_load %arg7[%get3A_228] {strides = array<i32>} : memref<8192xi32, #tpu.memory_space<vmem>>, vector<16xi32>,
      %gather3A_230 = tpu.vector_load_idx %arg8[%get3A_229] : memref<8192xf32, #tpu.memory_space<vmem>>[vector<16xi32>], vector<16xf32>,
      %add3A_231 = arith.addf %add3A_202, %gather3A_230 : vector<16xf32>
      %add3A_232 = arith.constant 48 : i32
      %add3A_233 = arith.addi %multiple_of3A_215, %add3A_232 : i32
      %get3A_234 = arith.index_cast %add3A_233 : i32 to index
      %get3A_235 = tpu.vector_load %arg7[%get3A_234] {strides = array<i32>} : memref<8192xi32, #tpu.memory_space<vmem>>, vector<16xi32>,
      %gather3A_236 = tpu.vector_load_idx %arg8[%get3A_235] : memref<8192xf32, #tpu.memory_space<vmem>>[vector<16xi32>], vector<16xf32>,
      %add3A_237 = arith.addf %add3A_208, %gather3A_236 : vector<16xf32>
      scf.yield %add3A_219, %add3A_225, %add3A_231, %add3A_237 : vector<16xf32>, vector<16xf32>, vector<16xf32>, vector<16xf32>
    }
    %scan3A_60 = arith.constant 128 : i32
    %add3A_61 = arith.constant 3 : i32
    %add3A_62 = arith.addi %mul3A_2, %add3A_61 : i32
    %dma_start3A_63 = arith.constant 0 : i32
    %dma_start3A_64 = tpu.memref_slice %arg3[%arg1, %add3A_62, %dma_start3A_63] : memref<16x16x8192xi32, #tpu.memory_space<hbm>> -> memref<1x1x8192xi32, #tpu.memory_space<hbm>>
    %dma_start3A_65 = tpu.memref_squeeze %dma_start3A_64 : memref<1x1x8192xi32, #tpu.memory_space<hbm>> -> memref<8192xi32, #tpu.memory_space<hbm>>
    %dma_start3A_66 = arith.constant 0 : i32
    %dma_start3A_67 = tpu.memref_slice %arg3[%arg1, %add3A_62, %dma_start3A_66] : memref<16x16x8192xi32, #tpu.memory_space<hbm>> -> memref<1x1x8192xi32, #tpu.memory_space<hbm>>
    %dma_start3A_68 = tpu.memref_squeeze %dma_start3A_67 : memref<1x1x8192xi32, #tpu.memory_space<hbm>> -> memref<8192xi32, #tpu.memory_space<hbm>>
    tpu.enqueue_dma source(%dma_start3A_68 : memref<8192xi32, #tpu.memory_space<hbm>>) target(%arg7 : memref<8192xi32, #tpu.memory_space<vmem>>) target_semaphore(%arg13 : memref<!tpu.dma_semaphore, #tpu.memory_space<semaphore_mem>>)
    %dma_wait3A_69 = arith.constant 0 : i32
    %dma_wait3A_70 = tpu.memref_slice %arg3[%arg1, %add3A_42, %dma_wait3A_69] : memref<16x16x8192xi32, #tpu.memory_space<hbm>> -> memref<1x1x8192xi32, #tpu.memory_space<hbm>>
    %dma_wait3A_71 = tpu.memref_squeeze %dma_wait3A_70 : memref<1x1x8192xi32, #tpu.memory_space<hbm>> -> memref<8192xi32, #tpu.memory_space<hbm>>
    %dma_wait3A_72 = arith.constant 0 : i32
    %dma_wait3A_73 = tpu.memref_slice %arg3[%arg1, %add3A_42, %dma_wait3A_72] : memref<16x16x8192xi32, #tpu.memory_space<hbm>> -> memref<1x1x8192xi32, #tpu.memory_space<hbm>>
    %dma_wait3A_74 = tpu.memref_squeeze %dma_wait3A_73 : memref<1x1x8192xi32, #tpu.memory_space<hbm>> -> memref<8192xi32, #tpu.memory_space<hbm>>
    tpu.wait_dma2 semaphore(%arg12 : memref<!tpu.dma_semaphore, #tpu.memory_space<semaphore_mem>>) src(%dma_wait3A_74 : memref<8192xi32, #tpu.memory_space<hbm>>) dst(%arg6 : memref<8192xi32, #tpu.memory_space<vmem>>)
    %scan3A_75 = arith.constant 0 : i32
    %scan3A_76 = arith.constant 128 : i32
    %scan3A_77 = arith.addi %scan3A_75, %scan3A_76 : i32
    %scan3A_78 = arith.constant 2 : i32
    %scan3A_79:4 = scf.for %scan3A_179 = %scan3A_75 to %scan3A_77 step %scan3A_78 iter_args(%scan3A_180 = %scan3A_59#0, %scan3A_181 = %scan3A_59#1, %scan3A_182 = %scan3A_59#2, %scan3A_183 = %scan3A_59#3) -> (vector<16xf32>, vector<16xf32>, vector<16xf32>, vector<16xf32>)  : i32 {
      %mul3A_184 = arith.constant 4 : i32
      %mul3A_185 = arith.muli %scan3A_179, %mul3A_184 : i32
      %mul3A_186 = arith.constant 16 : i32
      %mul3A_187 = arith.muli %mul3A_185, %mul3A_186 : i32
      %multiple_of3A = tpu.assume_multiple %mul3A_187, 64 : i32
      %get3A_188 = arith.index_cast %multiple_of3A : i32 to index
      %get3A_189 = tpu.vector_load %arg6[%get3A_188] {strides = array<i32>} : memref<8192xi32, #tpu.memory_space<vmem>>, vector<16xi32>,
      %gather3A = tpu.vector_load_idx %arg8[%get3A_189] : memref<8192xf32, #tpu.memory_space<vmem>>[vector<16xi32>], vector<16xf32>,
      %add3A_190 = arith.addf %scan3A_180, %gather3A : vector<16xf32>
      %add3A_191 = arith.constant 16 : i32
      %add3A_192 = arith.addi %multiple_of3A, %add3A_191 : i32
      %get3A_193 = arith.index_cast %add3A_192 : i32 to index
      %get3A_194 = tpu.vector_load %arg6[%get3A_193] {strides = array<i32>} : memref<8192xi32, #tpu.memory_space<vmem>>, vector<16xi32>,
      %gather3A_195 = tpu.vector_load_idx %arg8[%get3A_194] : memref<8192xf32, #tpu.memory_space<vmem>>[vector<16xi32>], vector<16xf32>,
      %add3A_196 = arith.addf %scan3A_181, %gather3A_195 : vector<16xf32>
      %add3A_197 = arith.constant 32 : i32
      %add3A_198 = arith.addi %multiple_of3A, %add3A_197 : i32
      %get3A_199 = arith.index_cast %add3A_198 : i32 to index
      %get3A_200 = tpu.vector_load %arg6[%get3A_199] {strides = array<i32>} : memref<8192xi32, #tpu.memory_space<vmem>>, vector<16xi32>,
      %gather3A_201 = tpu.vector_load_idx %arg8[%get3A_200] : memref<8192xf32, #tpu.memory_space<vmem>>[vector<16xi32>], vector<16xf32>,
      %add3A_202 = arith.addf %scan3A_182, %gather3A_201 : vector<16xf32>
      %add3A_203 = arith.constant 48 : i32
      %add3A_204 = arith.addi %multiple_of3A, %add3A_203 : i32
      %get3A_205 = arith.index_cast %add3A_204 : i32 to index
      %get3A_206 = tpu.vector_load %arg6[%get3A_205] {strides = array<i32>} : memref<8192xi32, #tpu.memory_space<vmem>>, vector<16xi32>,
      %gather3A_207 = tpu.vector_load_idx %arg8[%get3A_206] : memref<8192xf32, #tpu.memory_space<vmem>>[vector<16xi32>], vector<16xf32>,
      %add3A_208 = arith.addf %scan3A_183, %gather3A_207 : vector<16xf32>
      %scan3A_209 = arith.constant 1 : i32
      %scan3A_210 = arith.addi %scan3A_179, %scan3A_209 : i32
      %mul3A_211 = arith.constant 4 : i32
      %mul3A_212 = arith.muli %scan3A_210, %mul3A_211 : i32
      %mul3A_213 = arith.constant 16 : i32
      %mul3A_214 = arith.muli %mul3A_212, %mul3A_213 : i32
      %multiple_of3A_215 = tpu.assume_multiple %mul3A_214, 64 : i32
      %get3A_216 = arith.index_cast %multiple_of3A_215 : i32 to index
      %get3A_217 = tpu.vector_load %arg6[%get3A_216] {strides = array<i32>} : memref<8192xi32, #tpu.memory_space<vmem>>, vector<16xi32>,
      %gather3A_218 = tpu.vector_load_idx %arg8[%get3A_217] : memref<8192xf32, #tpu.memory_space<vmem>>[vector<16xi32>], vector<16xf32>,
      %add3A_219 = arith.addf %add3A_190, %gather3A_218 : vector<16xf32>
      %add3A_220 = arith.constant 16 : i32
      %add3A_221 = arith.addi %multiple_of3A_215, %add3A_220 : i32
      %get3A_222 = arith.index_cast %add3A_221 : i32 to index
      %get3A_223 = tpu.vector_load %arg6[%get3A_222] {strides = array<i32>} : memref<8192xi32, #tpu.memory_space<vmem>>, vector<16xi32>,
      %gather3A_224 = tpu.vector_load_idx %arg8[%get3A_223] : memref<8192xf32, #tpu.memory_space<vmem>>[vector<16xi32>], vector<16xf32>,
      %add3A_225 = arith.addf %add3A_196, %gather3A_224 : vector<16xf32>
      %add3A_226 = arith.constant 32 : i32
      %add3A_227 = arith.addi %multiple_of3A_215, %add3A_226 : i32
      %get3A_228 = arith.index_cast %add3A_227 : i32 to index
      %get3A_229 = tpu.vector_load %arg6[%get3A_228] {strides = array<i32>} : memref<8192xi32, #tpu.memory_space<vmem>>, vector<16xi32>,
      %gather3A_230 = tpu.vector_load_idx %arg8[%get3A_229] : memref<8192xf32, #tpu.memory_space<vmem>>[vector<16xi32>], vector<16xf32>,
      %add3A_231 = arith.addf %add3A_202, %gather3A_230 : vector<16xf32>
      %add3A_232 = arith.constant 48 : i32
      %add3A_233 = arith.addi %multiple_of3A_215, %add3A_232 : i32
      %get3A_234 = arith.index_cast %add3A_233 : i32 to index
      %get3A_235 = tpu.vector_load %arg6[%get3A_234] {strides = array<i32>} : memref<8192xi32, #tpu.memory_space<vmem>>, vector<16xi32>,
      %gather3A_236 = tpu.vector_load_idx %arg8[%get3A_235] : memref<8192xf32, #tpu.memory_space<vmem>>[vector<16xi32>], vector<16xf32>,
      %add3A_237 = arith.addf %add3A_208, %gather3A_236 : vector<16xf32>
      scf.yield %add3A_219, %add3A_225, %add3A_231, %add3A_237 : vector<16xf32>, vector<16xf32>, vector<16xf32>, vector<16xf32>
    }
    %scan3A_80 = arith.constant 128 : i32
    %add3A_81 = arith.constant 4 : i32
    %add3A_82 = arith.addi %mul3A_2, %add3A_81 : i32
    %dma_start3A_83 = arith.constant 0 : i32
    %dma_start3A_84 = tpu.memref_slice %arg3[%arg1, %add3A_82, %dma_start3A_83] : memref<16x16x8192xi32, #tpu.memory_space<hbm>> -> memref<1x1x8192xi32, #tpu.memory_space<hbm>>
    %dma_start3A_85 = tpu.memref_squeeze %dma_start3A_84 : memref<1x1x8192xi32, #tpu.memory_space<hbm>> -> memref<8192xi32, #tpu.memory_space<hbm>>
    %dma_start3A_86 = arith.constant 0 : i32
    %dma_start3A_87 = tpu.memref_slice %arg3[%arg1, %add3A_82, %dma_start3A_86] : memref<16x16x8192xi32, #tpu.memory_space<hbm>> -> memref<1x1x8192xi32, #tpu.memory_space<hbm>>
    %dma_start3A_88 = tpu.memref_squeeze %dma_start3A_87 : memref<1x1x8192xi32, #tpu.memory_space<hbm>> -> memref<8192xi32, #tpu.memory_space<hbm>>
    tpu.enqueue_dma source(%dma_start3A_88 : memref<8192xi32, #tpu.memory_space<hbm>>) target(%arg6 : memref<8192xi32, #tpu.memory_space<vmem>>) target_semaphore(%arg12 : memref<!tpu.dma_semaphore, #tpu.memory_space<semaphore_mem>>)
    %dma_wait3A_89 = arith.constant 0 : i32
    %dma_wait3A_90 = tpu.memref_slice %arg3[%arg1, %add3A_62, %dma_wait3A_89] : memref<16x16x8192xi32, #tpu.memory_space<hbm>> -> memref<1x1x8192xi32, #tpu.memory_space<hbm>>
    %dma_wait3A_91 = tpu.memref_squeeze %dma_wait3A_90 : memref<1x1x8192xi32, #tpu.memory_space<hbm>> -> memref<8192xi32, #tpu.memory_space<hbm>>
    %dma_wait3A_92 = arith.constant 0 : i32
    %dma_wait3A_93 = tpu.memref_slice %arg3[%arg1, %add3A_62, %dma_wait3A_92] : memref<16x16x8192xi32, #tpu.memory_space<hbm>> -> memref<1x1x8192xi32, #tpu.memory_space<hbm>>
    %dma_wait3A_94 = tpu.memref_squeeze %dma_wait3A_93 : memref<1x1x8192xi32, #tpu.memory_space<hbm>> -> memref<8192xi32, #tpu.memory_space<hbm>>
    tpu.wait_dma2 semaphore(%arg13 : memref<!tpu.dma_semaphore, #tpu.memory_space<semaphore_mem>>) src(%dma_wait3A_94 : memref<8192xi32, #tpu.memory_space<hbm>>) dst(%arg7 : memref<8192xi32, #tpu.memory_space<vmem>>)
    %scan3A_95 = arith.constant 0 : i32
    %scan3A_96 = arith.constant 128 : i32
    %scan3A_97 = arith.addi %scan3A_95, %scan3A_96 : i32
    %scan3A_98 = arith.constant 2 : i32
    %scan3A_99:4 = scf.for %scan3A_179 = %scan3A_95 to %scan3A_97 step %scan3A_98 iter_args(%scan3A_180 = %scan3A_79#0, %scan3A_181 = %scan3A_79#1, %scan3A_182 = %scan3A_79#2, %scan3A_183 = %scan3A_79#3) -> (vector<16xf32>, vector<16xf32>, vector<16xf32>, vector<16xf32>)  : i32 {
      %mul3A_184 = arith.constant 4 : i32
      %mul3A_185 = arith.muli %scan3A_179, %mul3A_184 : i32
      %mul3A_186 = arith.constant 16 : i32
      %mul3A_187 = arith.muli %mul3A_185, %mul3A_186 : i32
      %multiple_of3A = tpu.assume_multiple %mul3A_187, 64 : i32
      %get3A_188 = arith.index_cast %multiple_of3A : i32 to index
      %get3A_189 = tpu.vector_load %arg7[%get3A_188] {strides = array<i32>} : memref<8192xi32, #tpu.memory_space<vmem>>, vector<16xi32>,
      %gather3A = tpu.vector_load_idx %arg8[%get3A_189] : memref<8192xf32, #tpu.memory_space<vmem>>[vector<16xi32>], vector<16xf32>,
      %add3A_190 = arith.addf %scan3A_180, %gather3A : vector<16xf32>
      %add3A_191 = arith.constant 16 : i32
      %add3A_192 = arith.addi %multiple_of3A, %add3A_191 : i32
      %get3A_193 = arith.index_cast %add3A_192 : i32 to index
      %get3A_194 = tpu.vector_load %arg7[%get3A_193] {strides = array<i32>} : memref<8192xi32, #tpu.memory_space<vmem>>, vector<16xi32>,
      %gather3A_195 = tpu.vector_load_idx %arg8[%get3A_194] : memref<8192xf32, #tpu.memory_space<vmem>>[vector<16xi32>], vector<16xf32>,
      %add3A_196 = arith.addf %scan3A_181, %gather3A_195 : vector<16xf32>
      %add3A_197 = arith.constant 32 : i32
      %add3A_198 = arith.addi %multiple_of3A, %add3A_197 : i32
      %get3A_199 = arith.index_cast %add3A_198 : i32 to index
      %get3A_200 = tpu.vector_load %arg7[%get3A_199] {strides = array<i32>} : memref<8192xi32, #tpu.memory_space<vmem>>, vector<16xi32>,
      %gather3A_201 = tpu.vector_load_idx %arg8[%get3A_200] : memref<8192xf32, #tpu.memory_space<vmem>>[vector<16xi32>], vector<16xf32>,
      %add3A_202 = arith.addf %scan3A_182, %gather3A_201 : vector<16xf32>
      %add3A_203 = arith.constant 48 : i32
      %add3A_204 = arith.addi %multiple_of3A, %add3A_203 : i32
      %get3A_205 = arith.index_cast %add3A_204 : i32 to index
      %get3A_206 = tpu.vector_load %arg7[%get3A_205] {strides = array<i32>} : memref<8192xi32, #tpu.memory_space<vmem>>, vector<16xi32>,
      %gather3A_207 = tpu.vector_load_idx %arg8[%get3A_206] : memref<8192xf32, #tpu.memory_space<vmem>>[vector<16xi32>], vector<16xf32>,
      %add3A_208 = arith.addf %scan3A_183, %gather3A_207 : vector<16xf32>
      %scan3A_209 = arith.constant 1 : i32
      %scan3A_210 = arith.addi %scan3A_179, %scan3A_209 : i32
      %mul3A_211 = arith.constant 4 : i32
      %mul3A_212 = arith.muli %scan3A_210, %mul3A_211 : i32
      %mul3A_213 = arith.constant 16 : i32
      %mul3A_214 = arith.muli %mul3A_212, %mul3A_213 : i32
      %multiple_of3A_215 = tpu.assume_multiple %mul3A_214, 64 : i32
      %get3A_216 = arith.index_cast %multiple_of3A_215 : i32 to index
      %get3A_217 = tpu.vector_load %arg7[%get3A_216] {strides = array<i32>} : memref<8192xi32, #tpu.memory_space<vmem>>, vector<16xi32>,
      %gather3A_218 = tpu.vector_load_idx %arg8[%get3A_217] : memref<8192xf32, #tpu.memory_space<vmem>>[vector<16xi32>], vector<16xf32>,
      %add3A_219 = arith.addf %add3A_190, %gather3A_218 : vector<16xf32>
      %add3A_220 = arith.constant 16 : i32
      %add3A_221 = arith.addi %multiple_of3A_215, %add3A_220 : i32
      %get3A_222 = arith.index_cast %add3A_221 : i32 to index
      %get3A_223 = tpu.vector_load %arg7[%get3A_222] {strides = array<i32>} : memref<8192xi32, #tpu.memory_space<vmem>>, vector<16xi32>,
      %gather3A_224 = tpu.vector_load_idx %arg8[%get3A_223] : memref<8192xf32, #tpu.memory_space<vmem>>[vector<16xi32>], vector<16xf32>,
      %add3A_225 = arith.addf %add3A_196, %gather3A_224 : vector<16xf32>
      %add3A_226 = arith.constant 32 : i32
      %add3A_227 = arith.addi %multiple_of3A_215, %add3A_226 : i32
      %get3A_228 = arith.index_cast %add3A_227 : i32 to index
      %get3A_229 = tpu.vector_load %arg7[%get3A_228] {strides = array<i32>} : memref<8192xi32, #tpu.memory_space<vmem>>, vector<16xi32>,
      %gather3A_230 = tpu.vector_load_idx %arg8[%get3A_229] : memref<8192xf32, #tpu.memory_space<vmem>>[vector<16xi32>], vector<16xf32>,
      %add3A_231 = arith.addf %add3A_202, %gather3A_230 : vector<16xf32>
      %add3A_232 = arith.constant 48 : i32
      %add3A_233 = arith.addi %multiple_of3A_215, %add3A_232 : i32
      %get3A_234 = arith.index_cast %add3A_233 : i32 to index
      %get3A_235 = tpu.vector_load %arg7[%get3A_234] {strides = array<i32>} : memref<8192xi32, #tpu.memory_space<vmem>>, vector<16xi32>,
      %gather3A_236 = tpu.vector_load_idx %arg8[%get3A_235] : memref<8192xf32, #tpu.memory_space<vmem>>[vector<16xi32>], vector<16xf32>,
      %add3A_237 = arith.addf %add3A_208, %gather3A_236 : vector<16xf32>
      scf.yield %add3A_219, %add3A_225, %add3A_231, %add3A_237 : vector<16xf32>, vector<16xf32>, vector<16xf32>, vector<16xf32>
    }
    %scan3A_100 = arith.constant 128 : i32
    %add3A_101 = arith.constant 5 : i32
    %add3A_102 = arith.addi %mul3A_2, %add3A_101 : i32
    %dma_start3A_103 = arith.constant 0 : i32
    %dma_start3A_104 = tpu.memref_slice %arg3[%arg1, %add3A_102, %dma_start3A_103] : memref<16x16x8192xi32, #tpu.memory_space<hbm>> -> memref<1x1x8192xi32, #tpu.memory_space<hbm>>
    %dma_start3A_105 = tpu.memref_squeeze %dma_start3A_104 : memref<1x1x8192xi32, #tpu.memory_space<hbm>> -> memref<8192xi32, #tpu.memory_space<hbm>>
    %dma_start3A_106 = arith.constant 0 : i32
    %dma_start3A_107 = tpu.memref_slice %arg3[%arg1, %add3A_102, %dma_start3A_106] : memref<16x16x8192xi32, #tpu.memory_space<hbm>> -> memref<1x1x8192xi32, #tpu.memory_space<hbm>>
    %dma_start3A_108 = tpu.memref_squeeze %dma_start3A_107 : memref<1x1x8192xi32, #tpu.memory_space<hbm>> -> memref<8192xi32, #tpu.memory_space<hbm>>
    tpu.enqueue_dma source(%dma_start3A_108 : memref<8192xi32, #tpu.memory_space<hbm>>) target(%arg7 : memref<8192xi32, #tpu.memory_space<vmem>>) target_semaphore(%arg13 : memref<!tpu.dma_semaphore, #tpu.memory_space<semaphore_mem>>)
    %dma_wait3A_109 = arith.constant 0 : i32
    %dma_wait3A_110 = tpu.memref_slice %arg3[%arg1, %add3A_82, %dma_wait3A_109] : memref<16x16x8192xi32, #tpu.memory_space<hbm>> -> memref<1x1x8192xi32, #tpu.memory_space<hbm>>
    %dma_wait3A_111 = tpu.memref_squeeze %dma_wait3A_110 : memref<1x1x8192xi32, #tpu.memory_space<hbm>> -> memref<8192xi32, #tpu.memory_space<hbm>>
    %dma_wait3A_112 = arith.constant 0 : i32
    %dma_wait3A_113 = tpu.memref_slice %arg3[%arg1, %add3A_82, %dma_wait3A_112] : memref<16x16x8192xi32, #tpu.memory_space<hbm>> -> memref<1x1x8192xi32, #tpu.memory_space<hbm>>
    %dma_wait3A_114 = tpu.memref_squeeze %dma_wait3A_113 : memref<1x1x8192xi32, #tpu.memory_space<hbm>> -> memref<8192xi32, #tpu.memory_space<hbm>>
    tpu.wait_dma2 semaphore(%arg12 : memref<!tpu.dma_semaphore, #tpu.memory_space<semaphore_mem>>) src(%dma_wait3A_114 : memref<8192xi32, #tpu.memory_space<hbm>>) dst(%arg6 : memref<8192xi32, #tpu.memory_space<vmem>>)
    %scan3A_115 = arith.constant 0 : i32
    %scan3A_116 = arith.constant 128 : i32
    %scan3A_117 = arith.addi %scan3A_115, %scan3A_116 : i32
    %scan3A_118 = arith.constant 2 : i32
    %scan3A_119:4 = scf.for %scan3A_179 = %scan3A_115 to %scan3A_117 step %scan3A_118 iter_args(%scan3A_180 = %scan3A_99#0, %scan3A_181 = %scan3A_99#1, %scan3A_182 = %scan3A_99#2, %scan3A_183 = %scan3A_99#3) -> (vector<16xf32>, vector<16xf32>, vector<16xf32>, vector<16xf32>)  : i32 {
      %mul3A_184 = arith.constant 4 : i32
      %mul3A_185 = arith.muli %scan3A_179, %mul3A_184 : i32
      %mul3A_186 = arith.constant 16 : i32
      %mul3A_187 = arith.muli %mul3A_185, %mul3A_186 : i32
      %multiple_of3A = tpu.assume_multiple %mul3A_187, 64 : i32
      %get3A_188 = arith.index_cast %multiple_of3A : i32 to index
      %get3A_189 = tpu.vector_load %arg6[%get3A_188] {strides = array<i32>} : memref<8192xi32, #tpu.memory_space<vmem>>, vector<16xi32>,
      %gather3A = tpu.vector_load_idx %arg8[%get3A_189] : memref<8192xf32, #tpu.memory_space<vmem>>[vector<16xi32>], vector<16xf32>,
      %add3A_190 = arith.addf %scan3A_180, %gather3A : vector<16xf32>
      %add3A_191 = arith.constant 16 : i32
      %add3A_192 = arith.addi %multiple_of3A, %add3A_191 : i32
      %get3A_193 = arith.index_cast %add3A_192 : i32 to index
      %get3A_194 = tpu.vector_load %arg6[%get3A_193] {strides = array<i32>} : memref<8192xi32, #tpu.memory_space<vmem>>, vector<16xi32>,
      %gather3A_195 = tpu.vector_load_idx %arg8[%get3A_194] : memref<8192xf32, #tpu.memory_space<vmem>>[vector<16xi32>], vector<16xf32>,
      %add3A_196 = arith.addf %scan3A_181, %gather3A_195 : vector<16xf32>
      %add3A_197 = arith.constant 32 : i32
      %add3A_198 = arith.addi %multiple_of3A, %add3A_197 : i32
      %get3A_199 = arith.index_cast %add3A_198 : i32 to index
      %get3A_200 = tpu.vector_load %arg6[%get3A_199] {strides = array<i32>} : memref<8192xi32, #tpu.memory_space<vmem>>, vector<16xi32>,
      %gather3A_201 = tpu.vector_load_idx %arg8[%get3A_200] : memref<8192xf32, #tpu.memory_space<vmem>>[vector<16xi32>], vector<16xf32>,
      %add3A_202 = arith.addf %scan3A_182, %gather3A_201 : vector<16xf32>
      %add3A_203 = arith.constant 48 : i32
      %add3A_204 = arith.addi %multiple_of3A, %add3A_203 : i32
      %get3A_205 = arith.index_cast %add3A_204 : i32 to index
      %get3A_206 = tpu.vector_load %arg6[%get3A_205] {strides = array<i32>} : memref<8192xi32, #tpu.memory_space<vmem>>, vector<16xi32>,
      %gather3A_207 = tpu.vector_load_idx %arg8[%get3A_206] : memref<8192xf32, #tpu.memory_space<vmem>>[vector<16xi32>], vector<16xf32>,
      %add3A_208 = arith.addf %scan3A_183, %gather3A_207 : vector<16xf32>
      %scan3A_209 = arith.constant 1 : i32
      %scan3A_210 = arith.addi %scan3A_179, %scan3A_209 : i32
      %mul3A_211 = arith.constant 4 : i32
      %mul3A_212 = arith.muli %scan3A_210, %mul3A_211 : i32
      %mul3A_213 = arith.constant 16 : i32
      %mul3A_214 = arith.muli %mul3A_212, %mul3A_213 : i32
      %multiple_of3A_215 = tpu.assume_multiple %mul3A_214, 64 : i32
      %get3A_216 = arith.index_cast %multiple_of3A_215 : i32 to index
      %get3A_217 = tpu.vector_load %arg6[%get3A_216] {strides = array<i32>} : memref<8192xi32, #tpu.memory_space<vmem>>, vector<16xi32>,
      %gather3A_218 = tpu.vector_load_idx %arg8[%get3A_217] : memref<8192xf32, #tpu.memory_space<vmem>>[vector<16xi32>], vector<16xf32>,
      %add3A_219 = arith.addf %add3A_190, %gather3A_218 : vector<16xf32>
      %add3A_220 = arith.constant 16 : i32
      %add3A_221 = arith.addi %multiple_of3A_215, %add3A_220 : i32
      %get3A_222 = arith.index_cast %add3A_221 : i32 to index
      %get3A_223 = tpu.vector_load %arg6[%get3A_222] {strides = array<i32>} : memref<8192xi32, #tpu.memory_space<vmem>>, vector<16xi32>,
      %gather3A_224 = tpu.vector_load_idx %arg8[%get3A_223] : memref<8192xf32, #tpu.memory_space<vmem>>[vector<16xi32>], vector<16xf32>,
      %add3A_225 = arith.addf %add3A_196, %gather3A_224 : vector<16xf32>
      %add3A_226 = arith.constant 32 : i32
      %add3A_227 = arith.addi %multiple_of3A_215, %add3A_226 : i32
      %get3A_228 = arith.index_cast %add3A_227 : i32 to index
      %get3A_229 = tpu.vector_load %arg6[%get3A_228] {strides = array<i32>} : memref<8192xi32, #tpu.memory_space<vmem>>, vector<16xi32>,
      %gather3A_230 = tpu.vector_load_idx %arg8[%get3A_229] : memref<8192xf32, #tpu.memory_space<vmem>>[vector<16xi32>], vector<16xf32>,
      %add3A_231 = arith.addf %add3A_202, %gather3A_230 : vector<16xf32>
      %add3A_232 = arith.constant 48 : i32
      %add3A_233 = arith.addi %multiple_of3A_215, %add3A_232 : i32
      %get3A_234 = arith.index_cast %add3A_233 : i32 to index
      %get3A_235 = tpu.vector_load %arg6[%get3A_234] {strides = array<i32>} : memref<8192xi32, #tpu.memory_space<vmem>>, vector<16xi32>,
      %gather3A_236 = tpu.vector_load_idx %arg8[%get3A_235] : memref<8192xf32, #tpu.memory_space<vmem>>[vector<16xi32>], vector<16xf32>,
      %add3A_237 = arith.addf %add3A_208, %gather3A_236 : vector<16xf32>
      scf.yield %add3A_219, %add3A_225, %add3A_231, %add3A_237 : vector<16xf32>, vector<16xf32>, vector<16xf32>, vector<16xf32>
    }
    %scan3A_120 = arith.constant 128 : i32
    %add3A_121 = arith.constant 6 : i32
    %add3A_122 = arith.addi %mul3A_2, %add3A_121 : i32
    %dma_start3A_123 = arith.constant 0 : i32
    %dma_start3A_124 = tpu.memref_slice %arg3[%arg1, %add3A_122, %dma_start3A_123] : memref<16x16x8192xi32, #tpu.memory_space<hbm>> -> memref<1x1x8192xi32, #tpu.memory_space<hbm>>
    %dma_start3A_125 = tpu.memref_squeeze %dma_start3A_124 : memref<1x1x8192xi32, #tpu.memory_space<hbm>> -> memref<8192xi32, #tpu.memory_space<hbm>>
    %dma_start3A_126 = arith.constant 0 : i32
    %dma_start3A_127 = tpu.memref_slice %arg3[%arg1, %add3A_122, %dma_start3A_126] : memref<16x16x8192xi32, #tpu.memory_space<hbm>> -> memref<1x1x8192xi32, #tpu.memory_space<hbm>>
    %dma_start3A_128 = tpu.memref_squeeze %dma_start3A_127 : memref<1x1x8192xi32, #tpu.memory_space<hbm>> -> memref<8192xi32, #tpu.memory_space<hbm>>
    tpu.enqueue_dma source(%dma_start3A_128 : memref<8192xi32, #tpu.memory_space<hbm>>) target(%arg6 : memref<8192xi32, #tpu.memory_space<vmem>>) target_semaphore(%arg12 : memref<!tpu.dma_semaphore, #tpu.memory_space<semaphore_mem>>)
    %dma_wait3A_129 = arith.constant 0 : i32
    %dma_wait3A_130 = tpu.memref_slice %arg3[%arg1, %add3A_102, %dma_wait3A_129] : memref<16x16x8192xi32, #tpu.memory_space<hbm>> -> memref<1x1x8192xi32, #tpu.memory_space<hbm>>
    %dma_wait3A_131 = tpu.memref_squeeze %dma_wait3A_130 : memref<1x1x8192xi32, #tpu.memory_space<hbm>> -> memref<8192xi32, #tpu.memory_space<hbm>>
    %dma_wait3A_132 = arith.constant 0 : i32
    %dma_wait3A_133 = tpu.memref_slice %arg3[%arg1, %add3A_102, %dma_wait3A_132] : memref<16x16x8192xi32, #tpu.memory_space<hbm>> -> memref<1x1x8192xi32, #tpu.memory_space<hbm>>
    %dma_wait3A_134 = tpu.memref_squeeze %dma_wait3A_133 : memref<1x1x8192xi32, #tpu.memory_space<hbm>> -> memref<8192xi32, #tpu.memory_space<hbm>>
    tpu.wait_dma2 semaphore(%arg13 : memref<!tpu.dma_semaphore, #tpu.memory_space<semaphore_mem>>) src(%dma_wait3A_134 : memref<8192xi32, #tpu.memory_space<hbm>>) dst(%arg7 : memref<8192xi32, #tpu.memory_space<vmem>>)
    %scan3A_135 = arith.constant 0 : i32
    %scan3A_136 = arith.constant 128 : i32
    %scan3A_137 = arith.addi %scan3A_135, %scan3A_136 : i32
    %scan3A_138 = arith.constant 2 : i32
    %scan3A_139:4 = scf.for %scan3A_179 = %scan3A_135 to %scan3A_137 step %scan3A_138 iter_args(%scan3A_180 = %scan3A_119#0, %scan3A_181 = %scan3A_119#1, %scan3A_182 = %scan3A_119#2, %scan3A_183 = %scan3A_119#3) -> (vector<16xf32>, vector<16xf32>, vector<16xf32>, vector<16xf32>)  : i32 {
      %mul3A_184 = arith.constant 4 : i32
      %mul3A_185 = arith.muli %scan3A_179, %mul3A_184 : i32
      %mul3A_186 = arith.constant 16 : i32
      %mul3A_187 = arith.muli %mul3A_185, %mul3A_186 : i32
      %multiple_of3A = tpu.assume_multiple %mul3A_187, 64 : i32
      %get3A_188 = arith.index_cast %multiple_of3A : i32 to index
      %get3A_189 = tpu.vector_load %arg7[%get3A_188] {strides = array<i32>} : memref<8192xi32, #tpu.memory_space<vmem>>, vector<16xi32>,
      %gather3A = tpu.vector_load_idx %arg8[%get3A_189] : memref<8192xf32, #tpu.memory_space<vmem>>[vector<16xi32>], vector<16xf32>,
      %add3A_190 = arith.addf %scan3A_180, %gather3A : vector<16xf32>
      %add3A_191 = arith.constant 16 : i32
      %add3A_192 = arith.addi %multiple_of3A, %add3A_191 : i32
      %get3A_193 = arith.index_cast %add3A_192 : i32 to index
      %get3A_194 = tpu.vector_load %arg7[%get3A_193] {strides = array<i32>} : memref<8192xi32, #tpu.memory_space<vmem>>, vector<16xi32>,
      %gather3A_195 = tpu.vector_load_idx %arg8[%get3A_194] : memref<8192xf32, #tpu.memory_space<vmem>>[vector<16xi32>], vector<16xf32>,
      %add3A_196 = arith.addf %scan3A_181, %gather3A_195 : vector<16xf32>
      %add3A_197 = arith.constant 32 : i32
      %add3A_198 = arith.addi %multiple_of3A, %add3A_197 : i32
      %get3A_199 = arith.index_cast %add3A_198 : i32 to index
      %get3A_200 = tpu.vector_load %arg7[%get3A_199] {strides = array<i32>} : memref<8192xi32, #tpu.memory_space<vmem>>, vector<16xi32>,
      %gather3A_201 = tpu.vector_load_idx %arg8[%get3A_200] : memref<8192xf32, #tpu.memory_space<vmem>>[vector<16xi32>], vector<16xf32>,
      %add3A_202 = arith.addf %scan3A_182, %gather3A_201 : vector<16xf32>
      %add3A_203 = arith.constant 48 : i32
      %add3A_204 = arith.addi %multiple_of3A, %add3A_203 : i32
      %get3A_205 = arith.index_cast %add3A_204 : i32 to index
      %get3A_206 = tpu.vector_load %arg7[%get3A_205] {strides = array<i32>} : memref<8192xi32, #tpu.memory_space<vmem>>, vector<16xi32>,
      %gather3A_207 = tpu.vector_load_idx %arg8[%get3A_206] : memref<8192xf32, #tpu.memory_space<vmem>>[vector<16xi32>], vector<16xf32>,
      %add3A_208 = arith.addf %scan3A_183, %gather3A_207 : vector<16xf32>
      %scan3A_209 = arith.constant 1 : i32
      %scan3A_210 = arith.addi %scan3A_179, %scan3A_209 : i32
      %mul3A_211 = arith.constant 4 : i32
      %mul3A_212 = arith.muli %scan3A_210, %mul3A_211 : i32
      %mul3A_213 = arith.constant 16 : i32
      %mul3A_214 = arith.muli %mul3A_212, %mul3A_213 : i32
      %multiple_of3A_215 = tpu.assume_multiple %mul3A_214, 64 : i32
      %get3A_216 = arith.index_cast %multiple_of3A_215 : i32 to index
      %get3A_217 = tpu.vector_load %arg7[%get3A_216] {strides = array<i32>} : memref<8192xi32, #tpu.memory_space<vmem>>, vector<16xi32>,
      %gather3A_218 = tpu.vector_load_idx %arg8[%get3A_217] : memref<8192xf32, #tpu.memory_space<vmem>>[vector<16xi32>], vector<16xf32>,
      %add3A_219 = arith.addf %add3A_190, %gather3A_218 : vector<16xf32>
      %add3A_220 = arith.constant 16 : i32
      %add3A_221 = arith.addi %multiple_of3A_215, %add3A_220 : i32
      %get3A_222 = arith.index_cast %add3A_221 : i32 to index
      %get3A_223 = tpu.vector_load %arg7[%get3A_222] {strides = array<i32>} : memref<8192xi32, #tpu.memory_space<vmem>>, vector<16xi32>,
      %gather3A_224 = tpu.vector_load_idx %arg8[%get3A_223] : memref<8192xf32, #tpu.memory_space<vmem>>[vector<16xi32>], vector<16xf32>,
      %add3A_225 = arith.addf %add3A_196, %gather3A_224 : vector<16xf32>
      %add3A_226 = arith.constant 32 : i32
      %add3A_227 = arith.addi %multiple_of3A_215, %add3A_226 : i32
      %get3A_228 = arith.index_cast %add3A_227 : i32 to index
      %get3A_229 = tpu.vector_load %arg7[%get3A_228] {strides = array<i32>} : memref<8192xi32, #tpu.memory_space<vmem>>, vector<16xi32>,
      %gather3A_230 = tpu.vector_load_idx %arg8[%get3A_229] : memref<8192xf32, #tpu.memory_space<vmem>>[vector<16xi32>], vector<16xf32>,
      %add3A_231 = arith.addf %add3A_202, %gather3A_230 : vector<16xf32>
      %add3A_232 = arith.constant 48 : i32
      %add3A_233 = arith.addi %multiple_of3A_215, %add3A_232 : i32
      %get3A_234 = arith.index_cast %add3A_233 : i32 to index
      %get3A_235 = tpu.vector_load %arg7[%get3A_234] {strides = array<i32>} : memref<8192xi32, #tpu.memory_space<vmem>>, vector<16xi32>,
      %gather3A_236 = tpu.vector_load_idx %arg8[%get3A_235] : memref<8192xf32, #tpu.memory_space<vmem>>[vector<16xi32>], vector<16xf32>,
      %add3A_237 = arith.addf %add3A_208, %gather3A_236 : vector<16xf32>
      scf.yield %add3A_219, %add3A_225, %add3A_231, %add3A_237 : vector<16xf32>, vector<16xf32>, vector<16xf32>, vector<16xf32>
    }
    %scan3A_140 = arith.constant 128 : i32
    %add3A_141 = arith.constant 7 : i32
    %add3A_142 = arith.addi %mul3A_2, %add3A_141 : i32
    %dma_start3A_143 = arith.constant 0 : i32
    %dma_start3A_144 = tpu.memref_slice %arg3[%arg1, %add3A_142, %dma_start3A_143] : memref<16x16x8192xi32, #tpu.memory_space<hbm>> -> memref<1x1x8192xi32, #tpu.memory_space<hbm>>
    %dma_start3A_145 = tpu.memref_squeeze %dma_start3A_144 : memref<1x1x8192xi32, #tpu.memory_space<hbm>> -> memref<8192xi32, #tpu.memory_space<hbm>>
    %dma_start3A_146 = arith.constant 0 : i32
    %dma_start3A_147 = tpu.memref_slice %arg3[%arg1, %add3A_142, %dma_start3A_146] : memref<16x16x8192xi32, #tpu.memory_space<hbm>> -> memref<1x1x8192xi32, #tpu.memory_space<hbm>>
    %dma_start3A_148 = tpu.memref_squeeze %dma_start3A_147 : memref<1x1x8192xi32, #tpu.memory_space<hbm>> -> memref<8192xi32, #tpu.memory_space<hbm>>
    tpu.enqueue_dma source(%dma_start3A_148 : memref<8192xi32, #tpu.memory_space<hbm>>) target(%arg7 : memref<8192xi32, #tpu.memory_space<vmem>>) target_semaphore(%arg13 : memref<!tpu.dma_semaphore, #tpu.memory_space<semaphore_mem>>)
    %dma_wait3A_149 = arith.constant 0 : i32
    %dma_wait3A_150 = tpu.memref_slice %arg3[%arg1, %add3A_122, %dma_wait3A_149] : memref<16x16x8192xi32, #tpu.memory_space<hbm>> -> memref<1x1x8192xi32, #tpu.memory_space<hbm>>
    %dma_wait3A_151 = tpu.memref_squeeze %dma_wait3A_150 : memref<1x1x8192xi32, #tpu.memory_space<hbm>> -> memref<8192xi32, #tpu.memory_space<hbm>>
    %dma_wait3A_152 = arith.constant 0 : i32
    %dma_wait3A_153 = tpu.memref_slice %arg3[%arg1, %add3A_122, %dma_wait3A_152] : memref<16x16x8192xi32, #tpu.memory_space<hbm>> -> memref<1x1x8192xi32, #tpu.memory_space<hbm>>
    %dma_wait3A_154 = tpu.memref_squeeze %dma_wait3A_153 : memref<1x1x8192xi32, #tpu.memory_space<hbm>> -> memref<8192xi32, #tpu.memory_space<hbm>>
    tpu.wait_dma2 semaphore(%arg12 : memref<!tpu.dma_semaphore, #tpu.memory_space<semaphore_mem>>) src(%dma_wait3A_154 : memref<8192xi32, #tpu.memory_space<hbm>>) dst(%arg6 : memref<8192xi32, #tpu.memory_space<vmem>>)
    %scan3A_155 = arith.constant 0 : i32
    %scan3A_156 = arith.constant 128 : i32
    %scan3A_157 = arith.addi %scan3A_155, %scan3A_156 : i32
    %scan3A_158 = arith.constant 2 : i32
    %scan3A_159:4 = scf.for %scan3A_179 = %scan3A_155 to %scan3A_157 step %scan3A_158 iter_args(%scan3A_180 = %scan3A_139#0, %scan3A_181 = %scan3A_139#1, %scan3A_182 = %scan3A_139#2, %scan3A_183 = %scan3A_139#3) -> (vector<16xf32>, vector<16xf32>, vector<16xf32>, vector<16xf32>)  : i32 {
      %mul3A_184 = arith.constant 4 : i32
      %mul3A_185 = arith.muli %scan3A_179, %mul3A_184 : i32
      %mul3A_186 = arith.constant 16 : i32
      %mul3A_187 = arith.muli %mul3A_185, %mul3A_186 : i32
      %multiple_of3A = tpu.assume_multiple %mul3A_187, 64 : i32
      %get3A_188 = arith.index_cast %multiple_of3A : i32 to index
      %get3A_189 = tpu.vector_load %arg6[%get3A_188] {strides = array<i32>} : memref<8192xi32, #tpu.memory_space<vmem>>, vector<16xi32>,
      %gather3A = tpu.vector_load_idx %arg8[%get3A_189] : memref<8192xf32, #tpu.memory_space<vmem>>[vector<16xi32>], vector<16xf32>,
      %add3A_190 = arith.addf %scan3A_180, %gather3A : vector<16xf32>
      %add3A_191 = arith.constant 16 : i32
      %add3A_192 = arith.addi %multiple_of3A, %add3A_191 : i32
      %get3A_193 = arith.index_cast %add3A_192 : i32 to index
      %get3A_194 = tpu.vector_load %arg6[%get3A_193] {strides = array<i32>} : memref<8192xi32, #tpu.memory_space<vmem>>, vector<16xi32>,
      %gather3A_195 = tpu.vector_load_idx %arg8[%get3A_194] : memref<8192xf32, #tpu.memory_space<vmem>>[vector<16xi32>], vector<16xf32>,
      %add3A_196 = arith.addf %scan3A_181, %gather3A_195 : vector<16xf32>
      %add3A_197 = arith.constant 32 : i32
      %add3A_198 = arith.addi %multiple_of3A, %add3A_197 : i32
      %get3A_199 = arith.index_cast %add3A_198 : i32 to index
      %get3A_200 = tpu.vector_load %arg6[%get3A_199] {strides = array<i32>} : memref<8192xi32, #tpu.memory_space<vmem>>, vector<16xi32>,
      %gather3A_201 = tpu.vector_load_idx %arg8[%get3A_200] : memref<8192xf32, #tpu.memory_space<vmem>>[vector<16xi32>], vector<16xf32>,
      %add3A_202 = arith.addf %scan3A_182, %gather3A_201 : vector<16xf32>
      %add3A_203 = arith.constant 48 : i32
      %add3A_204 = arith.addi %multiple_of3A, %add3A_203 : i32
      %get3A_205 = arith.index_cast %add3A_204 : i32 to index
      %get3A_206 = tpu.vector_load %arg6[%get3A_205] {strides = array<i32>} : memref<8192xi32, #tpu.memory_space<vmem>>, vector<16xi32>,
      %gather3A_207 = tpu.vector_load_idx %arg8[%get3A_206] : memref<8192xf32, #tpu.memory_space<vmem>>[vector<16xi32>], vector<16xf32>,
      %add3A_208 = arith.addf %scan3A_183, %gather3A_207 : vector<16xf32>
      %scan3A_209 = arith.constant 1 : i32
      %scan3A_210 = arith.addi %scan3A_179, %scan3A_209 : i32
      %mul3A_211 = arith.constant 4 : i32
      %mul3A_212 = arith.muli %scan3A_210, %mul3A_211 : i32
      %mul3A_213 = arith.constant 16 : i32
      %mul3A_214 = arith.muli %mul3A_212, %mul3A_213 : i32
      %multiple_of3A_215 = tpu.assume_multiple %mul3A_214, 64 : i32
      %get3A_216 = arith.index_cast %multiple_of3A_215 : i32 to index
      %get3A_217 = tpu.vector_load %arg6[%get3A_216] {strides = array<i32>} : memref<8192xi32, #tpu.memory_space<vmem>>, vector<16xi32>,
      %gather3A_218 = tpu.vector_load_idx %arg8[%get3A_217] : memref<8192xf32, #tpu.memory_space<vmem>>[vector<16xi32>], vector<16xf32>,
      %add3A_219 = arith.addf %add3A_190, %gather3A_218 : vector<16xf32>
      %add3A_220 = arith.constant 16 : i32
      %add3A_221 = arith.addi %multiple_of3A_215, %add3A_220 : i32
      %get3A_222 = arith.index_cast %add3A_221 : i32 to index
      %get3A_223 = tpu.vector_load %arg6[%get3A_222] {strides = array<i32>} : memref<8192xi32, #tpu.memory_space<vmem>>, vector<16xi32>,
      %gather3A_224 = tpu.vector_load_idx %arg8[%get3A_223] : memref<8192xf32, #tpu.memory_space<vmem>>[vector<16xi32>], vector<16xf32>,
      %add3A_225 = arith.addf %add3A_196, %gather3A_224 : vector<16xf32>
      %add3A_226 = arith.constant 32 : i32
      %add3A_227 = arith.addi %multiple_of3A_215, %add3A_226 : i32
      %get3A_228 = arith.index_cast %add3A_227 : i32 to index
      %get3A_229 = tpu.vector_load %arg6[%get3A_228] {strides = array<i32>} : memref<8192xi32, #tpu.memory_space<vmem>>, vector<16xi32>,
      %gather3A_230 = tpu.vector_load_idx %arg8[%get3A_229] : memref<8192xf32, #tpu.memory_space<vmem>>[vector<16xi32>], vector<16xf32>,
      %add3A_231 = arith.addf %add3A_202, %gather3A_230 : vector<16xf32>
      %add3A_232 = arith.constant 48 : i32
      %add3A_233 = arith.addi %multiple_of3A_215, %add3A_232 : i32
      %get3A_234 = arith.index_cast %add3A_233 : i32 to index
      %get3A_235 = tpu.vector_load %arg6[%get3A_234] {strides = array<i32>} : memref<8192xi32, #tpu.memory_space<vmem>>, vector<16xi32>,
      %gather3A_236 = tpu.vector_load_idx %arg8[%get3A_235] : memref<8192xf32, #tpu.memory_space<vmem>>[vector<16xi32>], vector<16xf32>,
      %add3A_237 = arith.addf %add3A_208, %gather3A_236 : vector<16xf32>
      scf.yield %add3A_219, %add3A_225, %add3A_231, %add3A_237 : vector<16xf32>, vector<16xf32>, vector<16xf32>, vector<16xf32>
    }
    %scan3A_160 = arith.constant 128 : i32
    %dma_wait3A_161 = arith.constant 0 : i32
    %dma_wait3A_162 = tpu.memref_slice %arg3[%arg1, %add3A_142, %dma_wait3A_161] : memref<16x16x8192xi32, #tpu.memory_space<hbm>> -> memref<1x1x8192xi32, #tpu.memory_space<hbm>>
    %dma_wait3A_163 = tpu.memref_squeeze %dma_wait3A_162 : memref<1x1x8192xi32, #tpu.memory_space<hbm>> -> memref<8192xi32, #tpu.memory_space<hbm>>
    %dma_wait3A_164 = arith.constant 0 : i32
    %dma_wait3A_165 = tpu.memref_slice %arg3[%arg1, %add3A_142, %dma_wait3A_164] : memref<16x16x8192xi32, #tpu.memory_space<hbm>> -> memref<1x1x8192xi32, #tpu.memory_space<hbm>>
    %dma_wait3A_166 = tpu.memref_squeeze %dma_wait3A_165 : memref<1x1x8192xi32, #tpu.memory_space<hbm>> -> memref<8192xi32, #tpu.memory_space<hbm>>
    tpu.wait_dma2 semaphore(%arg13 : memref<!tpu.dma_semaphore, #tpu.memory_space<semaphore_mem>>) src(%dma_wait3A_166 : memref<8192xi32, #tpu.memory_space<hbm>>) dst(%arg7 : memref<8192xi32, #tpu.memory_space<vmem>>)
    %scan3A_167 = arith.constant 0 : i32
    %scan3A_168 = arith.constant 128 : i32
    %scan3A_169 = arith.addi %scan3A_167, %scan3A_168 : i32
    %scan3A_170 = arith.constant 2 : i32
    %scan3A_171:4 = scf.for %scan3A_179 = %scan3A_167 to %scan3A_169 step %scan3A_170 iter_args(%scan3A_180 = %scan3A_159#0, %scan3A_181 = %scan3A_159#1, %scan3A_182 = %scan3A_159#2, %scan3A_183 = %scan3A_159#3) -> (vector<16xf32>, vector<16xf32>, vector<16xf32>, vector<16xf32>)  : i32 {
      %mul3A_184 = arith.constant 4 : i32
      %mul3A_185 = arith.muli %scan3A_179, %mul3A_184 : i32
      %mul3A_186 = arith.constant 16 : i32
      %mul3A_187 = arith.muli %mul3A_185, %mul3A_186 : i32
      %multiple_of3A = tpu.assume_multiple %mul3A_187, 64 : i32
      %get3A_188 = arith.index_cast %multiple_of3A : i32 to index
      %get3A_189 = tpu.vector_load %arg7[%get3A_188] {strides = array<i32>} : memref<8192xi32, #tpu.memory_space<vmem>>, vector<16xi32>,
      %gather3A = tpu.vector_load_idx %arg8[%get3A_189] : memref<8192xf32, #tpu.memory_space<vmem>>[vector<16xi32>], vector<16xf32>,
      %add3A_190 = arith.addf %scan3A_180, %gather3A : vector<16xf32>
      %add3A_191 = arith.constant 16 : i32
      %add3A_192 = arith.addi %multiple_of3A, %add3A_191 : i32
      %get3A_193 = arith.index_cast %add3A_192 : i32 to index
      %get3A_194 = tpu.vector_load %arg7[%get3A_193] {strides = array<i32>} : memref<8192xi32, #tpu.memory_space<vmem>>, vector<16xi32>,
      %gather3A_195 = tpu.vector_load_idx %arg8[%get3A_194] : memref<8192xf32, #tpu.memory_space<vmem>>[vector<16xi32>], vector<16xf32>,
      %add3A_196 = arith.addf %scan3A_181, %gather3A_195 : vector<16xf32>
      %add3A_197 = arith.constant 32 : i32
      %add3A_198 = arith.addi %multiple_of3A, %add3A_197 : i32
      %get3A_199 = arith.index_cast %add3A_198 : i32 to index
      %get3A_200 = tpu.vector_load %arg7[%get3A_199] {strides = array<i32>} : memref<8192xi32, #tpu.memory_space<vmem>>, vector<16xi32>,
      %gather3A_201 = tpu.vector_load_idx %arg8[%get3A_200] : memref<8192xf32, #tpu.memory_space<vmem>>[vector<16xi32>], vector<16xf32>,
      %add3A_202 = arith.addf %scan3A_182, %gather3A_201 : vector<16xf32>
      %add3A_203 = arith.constant 48 : i32
      %add3A_204 = arith.addi %multiple_of3A, %add3A_203 : i32
      %get3A_205 = arith.index_cast %add3A_204 : i32 to index
      %get3A_206 = tpu.vector_load %arg7[%get3A_205] {strides = array<i32>} : memref<8192xi32, #tpu.memory_space<vmem>>, vector<16xi32>,
      %gather3A_207 = tpu.vector_load_idx %arg8[%get3A_206] : memref<8192xf32, #tpu.memory_space<vmem>>[vector<16xi32>], vector<16xf32>,
      %add3A_208 = arith.addf %scan3A_183, %gather3A_207 : vector<16xf32>
      %scan3A_209 = arith.constant 1 : i32
      %scan3A_210 = arith.addi %scan3A_179, %scan3A_209 : i32
      %mul3A_211 = arith.constant 4 : i32
      %mul3A_212 = arith.muli %scan3A_210, %mul3A_211 : i32
      %mul3A_213 = arith.constant 16 : i32
      %mul3A_214 = arith.muli %mul3A_212, %mul3A_213 : i32
      %multiple_of3A_215 = tpu.assume_multiple %mul3A_214, 64 : i32
      %get3A_216 = arith.index_cast %multiple_of3A_215 : i32 to index
      %get3A_217 = tpu.vector_load %arg7[%get3A_216] {strides = array<i32>} : memref<8192xi32, #tpu.memory_space<vmem>>, vector<16xi32>,
      %gather3A_218 = tpu.vector_load_idx %arg8[%get3A_217] : memref<8192xf32, #tpu.memory_space<vmem>>[vector<16xi32>], vector<16xf32>,
      %add3A_219 = arith.addf %add3A_190, %gather3A_218 : vector<16xf32>
      %add3A_220 = arith.constant 16 : i32
      %add3A_221 = arith.addi %multiple_of3A_215, %add3A_220 : i32
      %get3A_222 = arith.index_cast %add3A_221 : i32 to index
      %get3A_223 = tpu.vector_load %arg7[%get3A_222] {strides = array<i32>} : memref<8192xi32, #tpu.memory_space<vmem>>, vector<16xi32>,
      %gather3A_224 = tpu.vector_load_idx %arg8[%get3A_223] : memref<8192xf32, #tpu.memory_space<vmem>>[vector<16xi32>], vector<16xf32>,
      %add3A_225 = arith.addf %add3A_196, %gather3A_224 : vector<16xf32>
      %add3A_226 = arith.constant 32 : i32
      %add3A_227 = arith.addi %multiple_of3A_215, %add3A_226 : i32
      %get3A_228 = arith.index_cast %add3A_227 : i32 to index
      %get3A_229 = tpu.vector_load %arg7[%get3A_228] {strides = array<i32>} : memref<8192xi32, #tpu.memory_space<vmem>>, vector<16xi32>,
      %gather3A_230 = tpu.vector_load_idx %arg8[%get3A_229] : memref<8192xf32, #tpu.memory_space<vmem>>[vector<16xi32>], vector<16xf32>,
      %add3A_231 = arith.addf %add3A_202, %gather3A_230 : vector<16xf32>
      %add3A_232 = arith.constant 48 : i32
      %add3A_233 = arith.addi %multiple_of3A_215, %add3A_232 : i32
      %get3A_234 = arith.index_cast %add3A_233 : i32 to index
      %get3A_235 = tpu.vector_load %arg7[%get3A_234] {strides = array<i32>} : memref<8192xi32, #tpu.memory_space<vmem>>, vector<16xi32>,
      %gather3A_236 = tpu.vector_load_idx %arg8[%get3A_235] : memref<8192xf32, #tpu.memory_space<vmem>>[vector<16xi32>], vector<16xf32>,
      %add3A_237 = arith.addf %add3A_208, %gather3A_236 : vector<16xf32>
      scf.yield %add3A_219, %add3A_225, %add3A_231, %add3A_237 : vector<16xf32>, vector<16xf32>, vector<16xf32>, vector<16xf32>
    }
    %scan3A_172 = arith.constant 128 : i32
    %add3A_173 = arith.addf %scan3A_171#0, %scan3A_171#1 : vector<16xf32>
    %add3A_174 = arith.addf %scan3A_171#2, %scan3A_171#3 : vector<16xf32>
    %add3A_175 = arith.addf %add3A_173, %add3A_174 : vector<16xf32>
    %get3A = arith.constant 0 : index
    %get3A_176 = tpu.vector_load %arg9[%get3A] {strides = array<i32>} : memref<16xf32, #tpu.memory_space<vmem>>, vector<16xf32>,
    %mul3A_177 = arith.mulf %add3A_175, %get3A_176 : vector<16xf32>
    %swap3A = arith.constant 0 : index
    %swap3A_178 = tpu.vector_load %arg10[%swap3A] {strides = array<i32>} : memref<16xf32, #tpu.memory_space<vmem>>, vector<16xf32>,
    tpu.vector_store %arg10[%swap3A], %mul3A_177 {strides = array<i32>} : memref<16xf32, #tpu.memory_space<vmem>>, vector<16xf32>,
    "tpu.region"() ({
      %run_scoped3A = tpu.sem_alloc : memref<!tpu.dma_semaphore, #tpu.memory_space<semaphore_mem>>
      %dma_start3A_179 = arith.constant 0 : i32
      %dma_start3A_180 = tpu.memref_slice %arg5[%add3A, %dma_start3A_179] : memref<32x16xf32, #tpu.memory_space<hbm>> -> memref<1x16xf32, #tpu.memory_space<hbm>>
      %dma_start3A_181 = tpu.memref_squeeze %dma_start3A_180 : memref<1x16xf32, #tpu.memory_space<hbm>> -> memref<16xf32, #tpu.memory_space<hbm>>
      %dma_start3A_182 = arith.constant 0 : i32
      %dma_start3A_183 = tpu.memref_slice %arg5[%add3A, %dma_start3A_182] : memref<32x16xf32, #tpu.memory_space<hbm>> -> memref<1x16xf32, #tpu.memory_space<hbm>>
      %dma_start3A_184 = tpu.memref_squeeze %dma_start3A_183 : memref<1x16xf32, #tpu.memory_space<hbm>> -> memref<16xf32, #tpu.memory_space<hbm>>
      tpu.enqueue_dma source(%arg10 : memref<16xf32, #tpu.memory_space<vmem>>) target(%dma_start3A_184 : memref<16xf32, #tpu.memory_space<hbm>>) target_semaphore(%run_scoped3A : memref<!tpu.dma_semaphore, #tpu.memory_space<semaphore_mem>>)
      %dma_wait3A_185 = arith.constant 0 : i32
      %dma_wait3A_186 = tpu.memref_slice %arg5[%add3A, %dma_wait3A_185] : memref<32x16xf32, #tpu.memory_space<hbm>> -> memref<1x16xf32, #tpu.memory_space<hbm>>
      %dma_wait3A_187 = tpu.memref_squeeze %dma_wait3A_186 : memref<1x16xf32, #tpu.memory_space<hbm>> -> memref<16xf32, #tpu.memory_space<hbm>>
      %dma_wait3A_188 = arith.constant 0 : i32
      %dma_wait3A_189 = tpu.memref_slice %arg5[%add3A, %dma_wait3A_188] : memref<32x16xf32, #tpu.memory_space<hbm>> -> memref<1x16xf32, #tpu.memory_space<hbm>>
      %dma_wait3A_190 = tpu.memref_squeeze %dma_wait3A_189 : memref<1x16xf32, #tpu.memory_space<hbm>> -> memref<16xf32, #tpu.memory_space<hbm>>
      tpu.wait_dma2 semaphore(%run_scoped3A : memref<!tpu.dma_semaphore, #tpu.memory_space<semaphore_mem>>) src(%arg10 : memref<16xf32, #tpu.memory_space<vmem>>) dst(%dma_wait3A_190 : memref<16xf32, #tpu.memory_space<hbm>>)
      tpu.yield
    }) : () -> ()
    return
  }
}

module attributes {stable_mosaic.version = 14 : i64} {
  func.func @_table_body(%arg0: memref<3x16x8192xf32, #tpu.memory_space<vmem>>, %arg1: memref<3x16x8192xf32, #tpu.memory_space<vmem>>, %arg2: memref<16x8192xf32, #tpu.memory_space<vmem>>) attributes {dimension_semantics = [], scalar_prefetch = 0 : i64, scratch_operands = 0 : i64, tpu.core_type = #tpu.core_type<tc>} {
    %get3A = arith.constant 0 : index
    %get3A_0 = arith.constant 0 : index
    %get3A_1 = arith.constant 0 : index
    %get3A_2 = vector.load %arg0[%get3A, %get3A_0, %get3A_1] : memref<3x16x8192xf32, #tpu.memory_space<vmem>>, vector<3x16x8192xf32>
    %get3A_3 = arith.constant 0 : index
    %get3A_4 = arith.constant 0 : index
    %get3A_5 = arith.constant 0 : index
    %get3A_6 = vector.load %arg1[%get3A_3, %get3A_4, %get3A_5] : memref<3x16x8192xf32, #tpu.memory_space<vmem>>, vector<3x16x8192xf32>
    %sub3A = arith.subf %get3A_2, %get3A_6 : vector<3x16x8192xf32>
    %mul3A = arith.mulf %sub3A, %sub3A : vector<3x16x8192xf32>
    %reduce_sum3A = arith.constant dense<0.000000e+00> : vector<16x8192xf32>
    %reduce_sum3A_7 = vector.multi_reduction <add>, %mul3A, %reduce_sum3A [0] : vector<3x16x8192xf32> to vector<16x8192xf32>
    %swap3A = arith.constant 0 : index
    %swap3A_8 = arith.constant 0 : index
    %swap3A_9 = vector.load %arg2[%swap3A, %swap3A_8] : memref<16x8192xf32, #tpu.memory_space<vmem>>, vector<16x8192xf32>
    tpu.vector_store %arg2[%swap3A, %swap3A_8], %reduce_sum3A_7 {strides = array<i32>} : memref<16x8192xf32, #tpu.memory_space<vmem>>, vector<16x8192xf32>,
    return
  }
}

</mosaic_0001>

<sc_bundles>
// kernel: _sc_call.4.cloned.1.call-start
scs
__scs_entry_jumppad:
0x0: {  	(pc) =	sbr.rel $0x88, $3  }
0x1: {  	(tag) =	ssettag $0x0;
	lr =	simm.s32 $0x1  }
0x2: {  	[smem:$0x3F9D] =	sst lr;
	_ =	strace $0xD0000000  }
0x3: {  	_ = 	snop  }
0x4: {  	_ = 	snop  }
0x5: {  	_ = 	snop  }
0x6: {  	_ = 	snop  }
0x7: {  	_ = 	snop  }
__scs_overlays_trampoline_lowered:
0x8: {  	[smem:$0x3FAC] =	sst s0  }
0x9: {  	[smem:$0x3FAD] =	sst s1  }
0xa: {  	[smem:$0x3FAE] =	sst s2  }
0xb: {  	[smem:$0x3FAF] =	sst s3  }
0xc: {  	[smem:$0x3FB0] =	sst s4  }
0xd: {  	[smem:$0x3FB1] =	sst s5  }
0xe: {  	[smem:$0x3FB2] =	sst s6  }
0xf: {  	[smem:$0x3FB3] =	sst s7  }
0x10: {  	[smem:$0x3FB4] =	sst s8  }
0x11: {  	[smem:$0x3FB5] =	sst s9;
	s0 =	simm.s32 @!p0 $0x0  }
0x12: {  	s1 =	sld [smem:$0x3F9B];
	s0 =	simm.s32 @p0 $0x1  }
0x13: {  	[smem:$0x3FB6] =	sst s0;
	s0 =	simm.s32 @!p1 $0x0  }
0x14: {  	s2 =	sld [smem:$0x3F9A];
	s0 =	simm.s32 @p1 $0x1  }
0x15: {  	[smem:$0x3FB7] =	sst s0;
	s0 =	simm.s32 @!p2 $0x0  }
0x16: {  	s3 =	sld [smem:$0x3FDB];
	s0 =	simm.s32 @p2 $0x1  }
0x17: {  	s4 =	simm.s32 $0x1BF5;
	[smem:$0x3FB9] =	sst s0  }
0x18: {  	s0 =	sld [smem:$0x3F9C];
	_ =	swait.ge [sflag:s4], $0x0  }
0x19: {  	s7 =	sld [smem:$0x3F9D]  }
0x1a: {  	s8 =	sadd.s32 $0xFFFFE003, lr  }
0x1b: {  	s9 =	sadd.s32 $0xFFFFFEF7, lr;
	s5 =	simm.s32 $0xFFFFFFFF;
	p2 =	slt.u32 s8, $0xFFFFF086  }
0x1c: {  	p1 =	slt.u32 s9, $0xF7A;
	s5 =	simm.s32 @!p2 $0x0  }
0x1d: {  	s5 =	simm.s32 @p1 $0x1;
	p0 =	seq.s32 s7, s2  }
0x1e: {  	s7 =	smul.u32 @!p0 $0xF7A, s2;
	p2 =	seq.s32 @!p0 s5, $0x0  }
0x1f: {  	s9 =	smul.u32 $0xF7A, s1;
	s8 =	simm.s32 @!p0 $0x1BF5;
	p2 =	por !p2, p0  }
0x20: {  	[sflag:s8] =	ssyncset.s32 @!p0 $0xFFFFF086;
	s6 =	sadd.s32 @!p0 s3, s7;
	s7 =	simm.s32 @!p0 $0x108  }
0x21: {  	s3 =	sadd.s32 s3, s9;
	s6 =	sadd.s32 @!p0 $0x88, s6;
	s7 =	simm.s32 @p2 $0x1082  }
0x22: {  	[simem:s7], [sflag:s8] =	dma.local @!p0 [hbm:s6], $0xF7A  }
0x23: {  	s9 =	sor.u32 $0xD0000000, s2;
	s6 =	simm.s32 $0x108;
	_ =	swait.ge @!p0 [sflag:s8], $0x0  }
0x24: {  	s3 =	sadd.s32 $0x88, s3;
	s6 =	simm.s32 @!p1 $0x1082;
	[sflag:s4] =	ssyncset.s32 $0xFFFFF086  }
0x25: {  	[simem:s6], [sflag:s4] =	dma.local [hbm:s3], $0xF7A  }
0x26: {  	[smem:$0x3F9D] =	sst s1;
	(tag) =	ssettag s2;
	_ =	strace s9  }
0x27: {  	s1 =	sld [smem:$0x3FAD]  }
0x28: {  	s2 =	sld [smem:$0x3FAE]  }
0x29: {  	s4 =	sld [smem:$0x3FB0]  }
0x2a: {  	p0 =	seq.s32 s5, $0x0;
	s5 =	sld [smem:$0x3FB1]  }
0x2b: {  	s6 =	sld [smem:$0x3FB2]  }
0x2c: {  	s7 =	sld [smem:$0x3FB3]  }
0x2d: {  	s3 =	simm.s32 $0x108;
	s8 =	sld [smem:$0x3FB4]  }
0x2e: {  	s3 =	simm.s32 @!p0 $0x1082;
	s9 =	sld [smem:$0x3FB5]  }
0x2f: {  	lr =	sadd.s32 s0, s3;
	s0 =	sld [smem:$0x3FAC]  }
0x30: {  	s3 =	sld [smem:$0x3FAF]  }
0x31: {  	[smem:$0x3FB8] =	sst s10  }
0x32: {  	s10 =	sld [smem:$0x3FB6];
	_ =	sdelay $0x3  }
0x33: {  	p0 =	seq.s32 s10, $0x1;
	s10 =	sld [smem:$0x3FB8];
	_ =	sdelay $0x3  }
0x34: {  	[smem:$0x3FB8] =	sst s10  }
0x35: {  	s10 =	sld [smem:$0x3FB7];
	_ =	sdelay $0x3  }
0x36: {  	p1 =	seq.s32 s10, $0x1;
	s10 =	sld [smem:$0x3FB8];
	_ =	sdelay $0x3  }
0x37: {  	[smem:$0x3FB8] =	sst s10  }
0x38: {  	s10 =	sld [smem:$0x3FB9]  }
0x39: {  	_ = 	snop;
	(pc) =	sbr.ind lr, $3  }
0x3a: {  	_ = 	snop  }
0x3b: {  	_ = 	snop  }
0x3c: {  	p2 =	seq.s32 s10, $0x1;
	s10 =	sld [smem:$0x3FB8]  }
0x3d: {  	_ =	shalt  }
0x3e: {  	_ =	shalt  }
0x3f: {  	_ =	shalt  }
0x40: {  	_ =	shalt  }
0x41: {  	_ =	shalt  }
0x42: {  	_ =	shalt  }
0x43: {  	_ =	shalt  }
0x44: {  	_ =	shalt  }
0x45: {  	_ =	shalt  }
0x46: {  	_ =	shalt  }
0x47: {  	_ =	shalt  }
0x48: {  	_ =	shalt  }
0x49: {  	_ =	shalt  }
0x4a: {  	_ =	shalt  }
0x4b: {  	_ =	shalt  }
0x4c: {  	_ =	shalt  }
0x4d: {  	_ =	shalt  }
0x4e: {  	_ =	shalt  }
0x4f: {  	_ =	shalt  }
0x50: {  	_ =	shalt  }
0x51: {  	_ =	shalt  }
0x52: {  	_ =	shalt  }
0x53: {  	_ =	shalt  }
0x54: {  	_ =	shalt  }
0x55: {  	_ =	shalt  }
0x56: {  	_ =	shalt  }
0x57: {  	_ =	shalt  }
0x58: {  	_ =	shalt  }
0x59: {  	_ =	shalt  }
0x5a: {  	_ =	shalt  }
0x5b: {  	_ =	shalt  }
0x5c: {  	_ =	shalt  }
0x5d: {  	_ =	shalt  }
0x5e: {  	_ =	shalt  }
0x5f: {  	_ =	shalt  }
0x60: {  	_ =	shalt  }
0x61: {  	_ =	shalt  }
0x62: {  	_ =	shalt  }
0x63: {  	_ =	shalt  }
0x64: {  	_ =	shalt  }
0x65: {  	_ =	shalt  }
0x66: {  	_ =	shalt  }
0x67: {  	_ =	shalt  }
0x68: {  	_ =	shalt  }
0x69: {  	_ =	shalt  }
0x6a: {  	_ =	shalt  }
0x6b: {  	_ =	shalt  }
0x6c: {  	_ =	shalt  }
0x6d: {  	_ =	shalt  }
0x6e: {  	_ =	shalt  }
0x6f: {  	_ =	shalt  }
0x70: {  	_ =	shalt  }
0x71: {  	_ =	shalt  }
0x72: {  	_ =	shalt  }
0x73: {  	_ =	shalt  }
0x74: {  	_ =	shalt  }
0x75: {  	_ =	shalt  }
0x76: {  	_ =	shalt  }
0x77: {  	_ =	shalt  }
0x78: {  	_ =	shalt  }
0x79: {  	_ =	shalt  }
0x7a: {  	_ =	shalt  }
0x7b: {  	_ =	shalt  }
0x7c: {  	_ =	shalt  }
0x7d: {  	_ =	shalt  }
0x7e: {  	_ =	shalt  }
0x7f: {  	_ =	shalt  }
0x80: {  	_ =	shalt  }
0x81: {  	_ =	shalt  }
0x82: {  	_ =	shalt  }
0x83: {  	_ =	shalt  }
0x84: {  	_ =	shalt  }
0x85: {  	_ =	shalt  }
0x86: {  	_ =	shalt  }
0x87: {  	_ =	shalt  }
.Lfunc_end0:
.L_simem_size_0:
called_computation_lowered:
.L_overlay_start_0:
0x88: {  	s2 =	sld [smem:$0x3FD9]  }
0x89: {  	s3 =	sld [smem:$0x3FFE];
	_ =	sdelay $0x1  }
0x8a: {  	s1 =	srdreg.scid  }
0x8b: {  	s0 =	sand.u32 $0x1, s1  }
0x8c: {  	s17 =	sshll.u32 s0, $0xA;
	s2 =	sadd.s32 s3, s2  }
0x8d: {  	s2 =	sadd.s32 s2, s17  }
0x8e: {  	[smem:$0x3FC4] =	sst s2  }
0x8f: {  	_ = 	snop  }
0x90: {  	s2 =	sld [smem:$0x3FC7]  }
0x91: {  	s18 =	sld [smem:$0x3FC6];
	(tm) =	ssettm $0x1  }
0x92: {  	s4 =	sld [smem:$0x3FFB];
	_ =	sdelay $0x3  }
0x93: {  	_ =	strace s4  }
0x94: {  	s4 =	sld [smem:$0x3FFC];
	_ =	sdelay $0x3  }
0x95: {  	_ =	strace s4  }
0x96: {  	s4 =	sld [smem:$0x3FFD];
	_ =	sdelay $0x3  }
0x97: {  	_ =	strace s4  }
0x98: {  	_ =	strace $0x8FFFFFFF  }
0x99: {  	s19 =	sld [smem:$0x3FDB];
	_ =	sdelay $0x1  }
0x9a: {  	s5 =	simm.s32 $_scs_section_size  }
0x9b: {  	s6 =	simm.s32 $_size__tile_overlayer_lowered;
	s7 =	simm.s32 $_tile_overlayer_lowered  }
0x9c: {  	s22 =	simm.s32 $0x1BFF;
	s21 =	sshll.u32 s7, $0x1;
	s4 =	sadd.s32 s5, s19  }
0x9d: {  	s8 =	simm.s32 $0x0;
	s20 =	sshll.u32 s6, $0x1;
	s6 =	sadd.s32 s21, s4  }
0x9e: {  	[timem:s8], [sflag:s22] =	dma.local [hbm:s6], s20  }
0x9f: {  	_ =	swait.ge [sflag:s22], s20  }
0xa0: {  	s5 =	ssub.s32 $0x0, s20;
	[sflag:s22] =	ssyncset.done $0x0  }
0xa1: {  	[sflag:s22] =	ssyncadd.s32 s5;
	_ =	sdelay $0x1  }
0xa2: {  	s23 =	simm.s32 $0x1B8B  }
0xa3: {  	_ =	swait.ge [sflag:s23], $0x1  }
0xa4: {  	[sflag:s23] =	ssyncset.done $0x0  }
0xa5: {  	s25 =	simm.s32 $0x1B8E;
	s24 =	sld [smem:$0x3FFE];
	[sflag:s23] =	ssyncadd.s32 $0xFFFFFFFF  }
0xa6: {  	s26 =	simm.s32 $execute0_lowered;
	[smem:$0x3FD2] =	sst s25  }
0xa7: {  	s6 =	sshll.u32 s26, $0x1;
	_ =	strace $0x80000046;
	[dreg:$0x1] =	wrdreg $0xFFFFFFFF  }
0xa8: {  	s28 =	simm.s32 $_size_execute0_lowered;
	s4 =	sadd.s32 s4, s6;
	[dreg:$0x0] =	wrdreg $0x0  }
0xa9: {  	s6 =	sshll.u32 s28, $0x1;
	[dreg:$0x2] =	wrdreg s4  }
0xaa: {  	[dreg:$0x3] =	wrdreg s6  }
0xab: {  	[dreg:$0x4] =	wrdreg $0xC0  }
0xac: {  	_ =	task [dreg:s8], $0x5FFFF  }
0xad: {  	[dreg:$0x1] =	wrdreg $0xFFFFFFFF  }
0xae: {  	[dreg:$0x0] =	wrdreg $0x60  }
0xaf: {  	[dreg:$0x2] =	wrdreg s24  }
0xb0: {  	[dreg:$0x3] =	wrdreg s2  }
0xb1: {  	[dreg:$0x4] =	wrdreg s18  }
0xb2: {  	[dreg:$0x5] =	wrdreg $0x9  }
0xb3: {  	_ =	task.clear_ibuf [dreg:s8], $0x6FFFF;
	_ =	strace $0x90000046  }
0xb4: {  	s29 =	simm.s32 $0x9;
	_ =	strace $0x80000048  }
0xb5: {  	_ =	swait.ge [sflag:s29], $0x1  }
0xb6: {  	[sflag:s29] =	ssyncadd.s32 $0xFFFFFFFF  }
0xb7: {  	_ =	strace $0x90000048  }
0xb8: {  	_ =	sfence  }
0xb9: {  	s30 =	sld [smem:$0x0];
	_ =	sdelay $0x2  }
0xba: {  	s31 =	sshll.u32 s1, $0xD;
	s1 =	sshrl.u32 s1, $0x2  }
0xbb: {  	s3 =	sand.u32 $0x4000, s31;
	s1 =	sadd.s32 s1, s30  }
0xbc: {  	s0 =	sor.u32 s3, s0;
	s1 =	sshll.u32 s1, $0x11  }
0xbd: {  	s0 =	sor.u32 s1, s0  }
0xbe: {  	s0 =	sadd.s32 $0x8F2B, s0  }
0xbf: {  	[sflag:s0] =	ssyncadd.remote.s32 $0x1  }
0xc0: {  	_ =	sfence.sel $0xFFFF  }
0xc1: {  	[dreg:$0x0] =	wrdreg $0xFFFFFFFF;
	(pc) =	sbr.abs _section_cstart, $3  }
0xc2: {  	[dreg:$0x1] =	wrdreg $0xFFFFFFFF  }
0xc3: {  	_ =	task.clear_ibuf [dreg:s8], $0x2FFFF;
	_ =	strace $0x9FFFFFFF  }
0xc4: {  	(tm) =	ssettm $0x7FFFFFFF  }
0xc5: {  	_ =	shalt  }
tec
execute0_lowered:
.L_overlay_start_1:
0x0: {  	(tag) =	ssettag $0x1  }
0x1: {  	s3 =	rddreg [dreg:$0x0]  }
0x2: {  	s4 =	rddreg [dreg:$0x1]  }
0x3: {  	s6 =	rddreg [dreg:$0x2]  }
0x4: {  	s0 =	rddreg [dreg:$0x3];
	s1 =	stileid.u32  }
0x5: {  	s2 =	simm.s32 $0x0;
	s9 =	srdreg.scid;
	s15 =	simm.s32 $0x80  }
0x6: {  	s16 =	simm.s32 $0x400;
	s17 =	simm.s32 $0x4000;
	s18 =	simm.s32 $0x2000  }
0x7: {  	s19 =	simm.s32 $0x6000;
	s20 =	simm.s32 $0x4;
	s21 =	simm.s32 $0x1  }
0x8: {  	s22 =	simm.s32 $0x2;
	s23 =	simm.s32 $0x3;
	s24 =	simm.s32 $0x6080  }
0x9: {  	s25 =	simm.s32 $0x0;
	s5 =	sshrl.u32 s1, $0x3;
	s7 =	sshll.u32 s1, $0x7  }
0xa: {  	[smem:$0x7FF] =	sst s2;
	s9 =	sand.u32 $0x1, s9;
	s30 =	sshll.u32 s1, $0xE  }
0xb: {  	s31 =	sshll.u32 s1, $0x5;
	s7 =	sand.u32 $0x380, s7;
	s8 =	sshll.u32 s5, $0x10  }
0xc: {  	_ =	strace $0x80000047;
	s10 =	sshll.u32 s9, $0x4;
	s29 =	ssub.s32 $0x2, s9  }
0xd: {  	s9 =	sshll.u32 s9, $0xD;
	s5 =	sshll.u32 s5, $0xA;
	s8 =	sor.u32 s7, s8  }
0xe: {  	s11 =	sadd.s32 s10, s3;
	s12 =	sshrl.u32 s29, $0x1;
	s9 =	sor.u32 s9, s30  }
0xf: {  	s5 =	sor.u32 s7, s5;
	s8 =	sshrl.u32 s8, $0x3;
	s14 =	ssub.s32 s29, s12  }
0x10: {  	s7 =	sshrl.u32 s5, $0x3;
	s13 =	sadd.s32 s31, s11;
	s8 =	sadd.s32 s8, s3  }
0x11: {  	s3 =	sadd.s32 s4, s9;
	s6 =	sadd.s32 s6, s7;
	s13 =	sadd.s32 $0x4A00, s13  }
0x12: {  	s14 =	smax.u32 s14, $0x1;
	s4 =	sadd.s32 $0xA00, s8;
	s5 =	sadd.s32 $0x10, s3  }
0x13: {  	s7 =	sadd.s32 $0x20, s3;
	s8 =	sadd.s32 $0x30, s3;
	s9 =	sadd.s32 $0x40, s3  }
0x14: {  	s10 =	sadd.s32 $0x50, s3;
	s11 =	sadd.s32 $0x60, s3;
	s12 =	sadd.s32 $0x70, s3  }
.LBB2_1:
0x15: {  	[tilespmem:s17], [sflag:$0x1] =	stream.strided.gather [hbm4b:s4+s15], $0x2000, s16, s15, $0x38;
	[tilespmem:$0x6100] =	vst v63  }
0x16: {  	_ = 	snop  }
0x17: {  	[tilespmem:s2], [sflag:$0x2] =	stream.strided.gather [hbm4b:s3+s15], $0x2000, s16, s15, $0x38;
	[tilespmem:$0x6100] =	vst v63  }
0x18: {  	_ = 	snop  }
0x19: {  	[tilespmem:s18], [sflag:$0x3] =	stream.strided.gather [hbm4b:s5+s15], $0x2000, s16, s15, $0x38;
	[tilespmem:$0x6100] =	vst v63  }
0x1a: {  	_ = 	snop  }
0x1b: {  	[tilespmem:s19], [sflag:$0x4] =	stream.linear.gather [hbm4b:s6+s2], $0x80, $0x38;
	[tilespmem:$0x6100] =	vst v63  }
0x1c: {  	_ =	swait.ge [sflag:s20], $0x80  }
0x1d: {  	[sflag:s20] =	ssyncset.done $0x0  }
0x1e: {  	[sflag:s20] =	ssyncadd.s32 $0xFFFFFF80  }
0x1f: {  	_ =	swait.ge [sflag:s21], $0x2000  }
0x20: {  	[sflag:s21] =	ssyncset.done $0x0  }
0x21: {  	[sflag:s21] =	ssyncadd.s32 $0xFFFFE000  }
0x22: {  	_ =	swait.ge [sflag:s22], $0x2000  }
0x23: {  	[sflag:s22] =	ssyncset.done $0x0  }
0x24: {  	s26 =	simm.s32 $0x40;
	[sflag:s22] =	ssyncadd.s32 $0xFFFFE000  }
0x25: {  	v0 =	vld [tilespmem:s26+$0x0]  }
0x26: {  	v2 =	vld [tilespmem:s26+$0x10]  }
0x27: {  	v4 =	vld [tilespmem:s26+$0xFFFFFFC0]  }
0x28: {  	v5 =	vld [tilespmem:s26+$0xFFFFFFD0]  }
0x29: {  	v6 =	vld [tilespmem:s26+$0xFFFFFFE0]  }
0x2a: {  	v7 =	vld [tilespmem:s26+$0xFFFFFFF0]  }
0x2b: {  	v8 =	vld [tilespmem:s26+$0x20]  }
0x2c: {  	v10 =	vld [tilespmem:s26+$0x30]  }
0x2d: {  	v1 =	vld.idx.msk [tilespmem:v0+s17+$0x0], $0xffff  }
0x2e: {  	v3 =	vld.idx.msk [tilespmem:v2+s17+$0x0], $0xffff  }
0x2f: {  	v12 =	vld.idx.msk [tilespmem:v4+s17+$0x0], $0xffff  }
0x30: {  	v14 =	vld.idx.msk [tilespmem:v5+s17+$0x0], $0xffff  }
0x31: {  	v9 =	vld.idx.msk [tilespmem:v6+s17+$0x0], $0xffff  }
0x32: {  	v15 =	vld.idx.msk [tilespmem:v7+s17+$0x0], $0xffff  }
0x33: {  	v4 =	vimm.f32 $0.0e+00;
	v8 =	vld.idx.msk [tilespmem:v8+s17+$0x0], $0xffff  }
0x34: {  	s28 =	simm.s32 $0xC0;
	s26 =	simm.s32 $0x0;
	v10 =	vld.idx.msk [tilespmem:v10+s17+$0x0], $0xffff;
	v5 =	vimm.f32 $0.0e+00;
	v6 =	vimm.f32 $0.0e+00;
	v7 =	vimm.f32 $0.0e+00  }
.LBB2_2:
0x35: {  	v0 =	vld [tilespmem:s28+$0x0]  }
0x36: {  	v2 =	vld [tilespmem:s28+$0x10]  }
0x37: {  	v4 =	vadd.f32 v12, v4;
	v5 =	vadd.f32 v14, v5;
	v11 =	vld [tilespmem:s28+$0xFFFFFFC0]  }
0x38: {  	v6 =	vadd.f32 v9, v6;
	v7 =	vadd.f32 v15, v7;
	v13 =	vld [tilespmem:s28+$0xFFFFFFD0]  }
0x39: {  	v4 =	vadd.f32 v1, v4;
	v5 =	vadd.f32 v3, v5;
	v9 =	vld [tilespmem:s28+$0xFFFFFFE0]  }
0x3a: {  	s26 =	sadd.s32 $0x2, s26;
	v6 =	vadd.f32 v8, v6;
	v7 =	vadd.f32 v10, v7;
	v15 =	vld [tilespmem:s28+$0xFFFFFFF0]  }
0x3b: {  	p0 =	slt.u32 s26, $0x7E;
	v8 =	vld [tilespmem:s28+$0x20]  }
0x3c: {  	v10 =	vld [tilespmem:s28+$0x30]  }
0x3d: {  	v1 =	vld.idx.msk [tilespmem:v0+s17+$0x0], $0xffff  }
0x3e: {  	v3 =	vld.idx.msk [tilespmem:v2+s17+$0x0], $0xffff  }
0x3f: {  	v12 =	vld.idx.msk [tilespmem:v11+s17+$0x0], $0xffff  }
.Ltmp0:
0x40: {  	v14 =	vld.idx.msk [tilespmem:v13+s17+$0x0], $0xffff;
	(pc) =	sbr.rel @p0 .LBB2_2-.Ltmp0, $4  }
0x41: {  	v9 =	vld.idx.msk [tilespmem:v9+s17+$0x0], $0xffff  }
0x42: {  	v15 =	vld.idx.msk [tilespmem:v15+s17+$0x0], $0xffff  }
0x43: {  	v8 =	vld.idx.msk [tilespmem:v8+s17+$0x0], $0xffff  }
0x44: {  	s28 =	sadd.s32 $0x80, s28;
	v10 =	vld.idx.msk [tilespmem:v10+s17+$0x0], $0xffff  }
0x45: {  	[tilespmem:s2], [sflag:$0x2] =	stream.strided.gather [hbm4b:s7+s15], $0x2000, s16, s15, $0x38;
	[tilespmem:$0x6100] =	vst v63  }
0x46: {  	_ =	swait.ge [sflag:s23], $0x2000  }
0x47: {  	[sflag:s23] =	ssyncset.done $0x0  }
0x48: {  	s26 =	simm.s32 $0x2040;
	[sflag:s23] =	ssyncadd.s32 $0xFFFFE000  }
0x49: {  	v0 =	vld [tilespmem:s26+$0x0]  }
0x4a: {  	v2 =	vld [tilespmem:s26+$0x10]  }
0x4b: {  	v11 =	vld [tilespmem:s26+$0xFFFFFFC0]  }
0x4c: {  	v13 =	vld [tilespmem:s26+$0xFFFFFFD0]  }
0x4d: {  	v16 =	vld [tilespmem:s26+$0xFFFFFFE0]  }
0x4e: {  	v17 =	vld [tilespmem:s26+$0xFFFFFFF0]  }
0x4f: {  	v18 =	vld [tilespmem:s26+$0x20]  }
0x50: {  	v19 =	vld [tilespmem:s26+$0x30]  }
0x51: {  	v0 =	vld.idx.msk [tilespmem:v0+s17+$0x0], $0xffff  }
0x52: {  	v2 =	vld.idx.msk [tilespmem:v2+s17+$0x0], $0xffff  }
0x53: {  	v11 =	vld.idx.msk [tilespmem:v11+s17+$0x0], $0xffff  }
0x54: {  	v13 =	vld.idx.msk [tilespmem:v13+s17+$0x0], $0xffff  }
0x55: {  	v4 =	vadd.f32 v12, v4;
	v5 =	vadd.f32 v14, v5;
	v14 =	vld.idx.msk [tilespmem:v16+s17+$0x0], $0xffff  }
0x56: {  	v6 =	vadd.f32 v9, v6;
	v7 =	vadd.f32 v15, v7;
	v16 =	vld.idx.msk [tilespmem:v17+s17+$0x0], $0xffff  }
0x57: {  	v4 =	vadd.f32 v1, v4;
	v5 =	vadd.f32 v3, v5;
	v9 =	vld.idx.msk [tilespmem:v18+s17+$0x0], $0xffff  }
0x58: {  	s28 =	simm.s32 $0x20C0;
	v6 =	vadd.f32 v8, v6;
	v7 =	vadd.f32 v10, v7;
	s26 =	simm.s32 $0x0;
	v10 =	vld.idx.msk [tilespmem:v19+s17+$0x0], $0xffff  }
.LBB2_4:
0x59: {  	v1 =	vld [tilespmem:s28+$0x0]  }
0x5a: {  	v3 =	vld [tilespmem:s28+$0x10]  }
0x5b: {  	v4 =	vadd.f32 v11, v4;
	v5 =	vadd.f32 v13, v5;
	v8 =	vld [tilespmem:s28+$0xFFFFFFC0]  }
0x5c: {  	v6 =	vadd.f32 v14, v6;
	v7 =	vadd.f32 v16, v7;
	v12 =	vld [tilespmem:s28+$0xFFFFFFD0]  }
0x5d: {  	v4 =	vadd.f32 v0, v4;
	v5 =	vadd.f32 v2, v5;
	v14 =	vld [tilespmem:s28+$0xFFFFFFE0]  }
0x5e: {  	s26 =	sadd.s32 $0x2, s26;
	v6 =	vadd.f32 v9, v6;
	v7 =	vadd.f32 v10, v7;
	v15 =	vld [tilespmem:s28+$0xFFFFFFF0]  }
0x5f: {  	p0 =	slt.u32 s26, $0x7E;
	v9 =	vld [tilespmem:s28+$0x20]  }
0x60: {  	v10 =	vld [tilespmem:s28+$0x30]  }
0x61: {  	v0 =	vld.idx.msk [tilespmem:v1+s17+$0x0], $0xffff  }
0x62: {  	v2 =	vld.idx.msk [tilespmem:v3+s17+$0x0], $0xffff  }
0x63: {  	v11 =	vld.idx.msk [tilespmem:v8+s17+$0x0], $0xffff  }
.Ltmp1:
0x64: {  	v13 =	vld.idx.msk [tilespmem:v12+s17+$0x0], $0xffff;
	(pc) =	sbr.rel @p0 .LBB2_4-.Ltmp1, $4  }
0x65: {  	v14 =	vld.idx.msk [tilespmem:v14+s17+$0x0], $0xffff  }
0x66: {  	v16 =	vld.idx.msk [tilespmem:v15+s17+$0x0], $0xffff  }
0x67: {  	v9 =	vld.idx.msk [tilespmem:v9+s17+$0x0], $0xffff  }
0x68: {  	s28 =	sadd.s32 $0x80, s28;
	v10 =	vld.idx.msk [tilespmem:v10+s17+$0x0], $0xffff  }
0x69: {  	[tilespmem:s18], [sflag:$0x3] =	stream.strided.gather [hbm4b:s8+s15], $0x2000, s16, s15, $0x38;
	[tilespmem:$0x6100] =	vst v63  }
0x6a: {  	_ =	swait.ge [sflag:s22], $0x2000  }
0x6b: {  	[sflag:s22] =	ssyncset.done $0x0  }
0x6c: {  	s26 =	simm.s32 $0x40;
	[sflag:s22] =	ssyncadd.s32 $0xFFFFE000  }
0x6d: {  	v1 =	vld [tilespmem:s26+$0x0]  }
0x6e: {  	v3 =	vld [tilespmem:s26+$0x10]  }
0x6f: {  	v8 =	vld [tilespmem:s26+$0xFFFFFFC0]  }
0x70: {  	v15 =	vld [tilespmem:s26+$0xFFFFFFD0]  }
0x71: {  	v17 =	vld [tilespmem:s26+$0xFFFFFFE0]  }
0x72: {  	v18 =	vld [tilespmem:s26+$0xFFFFFFF0]  }
0x73: {  	v19 =	vld [tilespmem:s26+$0x20]  }
0x74: {  	v20 =	vld [tilespmem:s26+$0x30]  }
0x75: {  	v1 =	vld.idx.msk [tilespmem:v1+s17+$0x0], $0xffff  }
0x76: {  	v3 =	vld.idx.msk [tilespmem:v3+s17+$0x0], $0xffff  }
0x77: {  	v12 =	vld.idx.msk [tilespmem:v8+s17+$0x0], $0xffff  }
0x78: {  	v15 =	vld.idx.msk [tilespmem:v15+s17+$0x0], $0xffff  }
0x79: {  	v4 =	vadd.f32 v11, v4;
	v5 =	vadd.f32 v13, v5;
	v13 =	vld.idx.msk [tilespmem:v17+s17+$0x0], $0xffff  }
0x7a: {  	v6 =	vadd.f32 v14, v6;
	v7 =	vadd.f32 v16, v7;
	v16 =	vld.idx.msk [tilespmem:v18+s17+$0x0], $0xffff  }
0x7b: {  	v4 =	vadd.f32 v0, v4;
	v5 =	vadd.f32 v2, v5;
	v8 =	vld.idx.msk [tilespmem:v19+s17+$0x0], $0xffff  }
0x7c: {  	s28 =	simm.s32 $0xC0;
	v6 =	vadd.f32 v9, v6;
	v7 =	vadd.f32 v10, v7;
	s26 =	simm.s32 $0x0;
	v10 =	vld.idx.msk [tilespmem:v20+s17+$0x0], $0xffff  }
.LBB2_6:
0x7d: {  	v0 =	vld [tilespmem:s28+$0x0]  }
0x7e: {  	v2 =	vld [tilespmem:s28+$0x10]  }
0x7f: {  	v4 =	vadd.f32 v12, v4;
	v5 =	vadd.f32 v15, v5;
	v9 =	vld [tilespmem:s28+$0xFFFFFFC0]  }
0x80: {  	v6 =	vadd.f32 v13, v6;
	v7 =	vadd.f32 v16, v7;
	v11 =	vld [tilespmem:s28+$0xFFFFFFD0]  }
0x81: {  	v4 =	vadd.f32 v1, v4;
	v5 =	vadd.f32 v3, v5;
	v13 =	vld [tilespmem:s28+$0xFFFFFFE0]  }
0x82: {  	s26 =	sadd.s32 $0x2, s26;
	v6 =	vadd.f32 v8, v6;
	v7 =	vadd.f32 v10, v7;
	v14 =	vld [tilespmem:s28+$0xFFFFFFF0]  }
0x83: {  	p0 =	slt.u32 s26, $0x7E;
	v8 =	vld [tilespmem:s28+$0x20]  }
0x84: {  	v10 =	vld [tilespmem:s28+$0x30]  }
0x85: {  	v1 =	vld.idx.msk [tilespmem:v0+s17+$0x0], $0xffff  }
0x86: {  	v3 =	vld.idx.msk [tilespmem:v2+s17+$0x0], $0xffff  }
0x87: {  	v12 =	vld.idx.msk [tilespmem:v9+s17+$0x0], $0xffff  }
.Ltmp2:
0x88: {  	v15 =	vld.idx.msk [tilespmem:v11+s17+$0x0], $0xffff;
	(pc) =	sbr.rel @p0 .LBB2_6-.Ltmp2, $4  }
0x89: {  	v13 =	vld.idx.msk [tilespmem:v13+s17+$0x0], $0xffff  }
0x8a: {  	v16 =	vld.idx.msk [tilespmem:v14+s17+$0x0], $0xffff  }
0x8b: {  	v8 =	vld.idx.msk [tilespmem:v8+s17+$0x0], $0xffff  }
0x8c: {  	s28 =	sadd.s32 $0x80, s28;
	v10 =	vld.idx.msk [tilespmem:v10+s17+$0x0], $0xffff  }
0x8d: {  	[tilespmem:s2], [sflag:$0x2] =	stream.strided.gather [hbm4b:s9+s15], $0x2000, s16, s15, $0x38;
	[tilespmem:$0x6100] =	vst v63  }
0x8e: {  	_ =	swait.ge [sflag:s23], $0x2000  }
0x8f: {  	[sflag:s23] =	ssyncset.done $0x0  }
0x90: {  	s26 =	simm.s32 $0x2040;
	[sflag:s23] =	ssyncadd.s32 $0xFFFFE000  }
0x91: {  	v0 =	vld [tilespmem:s26+$0x0]  }
0x92: {  	v2 =	vld [tilespmem:s26+$0x10]  }
0x93: {  	v9 =	vld [tilespmem:s26+$0xFFFFFFC0]  }
0x94: {  	v14 =	vld [tilespmem:s26+$0xFFFFFFD0]  }
0x95: {  	v17 =	vld [tilespmem:s26+$0xFFFFFFE0]  }
0x96: {  	v18 =	vld [tilespmem:s26+$0xFFFFFFF0]  }
0x97: {  	v19 =	vld [tilespmem:s26+$0x20]  }
0x98: {  	v20 =	vld [tilespmem:s26+$0x30]  }
0x99: {  	v0 =	vld.idx.msk [tilespmem:v0+s17+$0x0], $0xffff  }
0x9a: {  	v2 =	vld.idx.msk [tilespmem:v2+s17+$0x0], $0xffff  }
0x9b: {  	v11 =	vld.idx.msk [tilespmem:v9+s17+$0x0], $0xffff  }
0x9c: {  	v14 =	vld.idx.msk [tilespmem:v14+s17+$0x0], $0xffff  }
0x9d: {  	v4 =	vadd.f32 v12, v4;
	v5 =	vadd.f32 v15, v5;
	v15 =	vld.idx.msk [tilespmem:v17+s17+$0x0], $0xffff  }
0x9e: {  	v6 =	vadd.f32 v13, v6;
	v7 =	vadd.f32 v16, v7;
	v16 =	vld.idx.msk [tilespmem:v18+s17+$0x0], $0xffff  }
0x9f: {  	v4 =	vadd.f32 v1, v4;
	v5 =	vadd.f32 v3, v5;
	v9 =	vld.idx.msk [tilespmem:v19+s17+$0x0], $0xffff  }
0xa0: {  	s28 =	simm.s32 $0x20C0;
	v6 =	vadd.f32 v8, v6;
	v7 =	vadd.f32 v10, v7;
	s26 =	simm.s32 $0x0;
	v10 =	vld.idx.msk [tilespmem:v20+s17+$0x0], $0xffff  }
.LBB2_8:
0xa1: {  	v1 =	vld [tilespmem:s28+$0x0]  }
0xa2: {  	v3 =	vld [tilespmem:s28+$0x10]  }
0xa3: {  	v4 =	vadd.f32 v11, v4;
	v5 =	vadd.f32 v14, v5;
	v8 =	vld [tilespmem:s28+$0xFFFFFFC0]  }
0xa4: {  	v6 =	vadd.f32 v15, v6;
	v7 =	vadd.f32 v16, v7;
	v12 =	vld [tilespmem:s28+$0xFFFFFFD0]  }
0xa5: {  	v4 =	vadd.f32 v0, v4;
	v5 =	vadd.f32 v2, v5;
	v13 =	vld [tilespmem:s28+$0xFFFFFFE0]  }
0xa6: {  	s26 =	sadd.s32 $0x2, s26;
	v6 =	vadd.f32 v9, v6;
	v7 =	vadd.f32 v10, v7;
	v16 =	vld [tilespmem:s28+$0xFFFFFFF0]  }
0xa7: {  	p0 =	slt.u32 s26, $0x7E;
	v9 =	vld [tilespmem:s28+$0x20]  }
0xa8: {  	v10 =	vld [tilespmem:s28+$0x30]  }
0xa9: {  	v0 =	vld.idx.msk [tilespmem:v1+s17+$0x0], $0xffff  }
0xaa: {  	v2 =	vld.idx.msk [tilespmem:v3+s17+$0x0], $0xffff  }
0xab: {  	v11 =	vld.idx.msk [tilespmem:v8+s17+$0x0], $0xffff  }
.Ltmp3:
0xac: {  	v14 =	vld.idx.msk [tilespmem:v12+s17+$0x0], $0xffff;
	(pc) =	sbr.rel @p0 .LBB2_8-.Ltmp3, $4  }
0xad: {  	v15 =	vld.idx.msk [tilespmem:v13+s17+$0x0], $0xffff  }
0xae: {  	v16 =	vld.idx.msk [tilespmem:v16+s17+$0x0], $0xffff  }
0xaf: {  	v9 =	vld.idx.msk [tilespmem:v9+s17+$0x0], $0xffff  }
0xb0: {  	s28 =	sadd.s32 $0x80, s28;
	v10 =	vld.idx.msk [tilespmem:v10+s17+$0x0], $0xffff  }
0xb1: {  	[tilespmem:s18], [sflag:$0x3] =	stream.strided.gather [hbm4b:s10+s15], $0x2000, s16, s15, $0x38;
	[tilespmem:$0x6100] =	vst v63  }
0xb2: {  	_ =	swait.ge [sflag:s22], $0x2000  }
0xb3: {  	[sflag:s22] =	ssyncset.done $0x0  }
0xb4: {  	s26 =	simm.s32 $0x40;
	[sflag:s22] =	ssyncadd.s32 $0xFFFFE000  }
0xb5: {  	v1 =	vld [tilespmem:s26+$0x0]  }
0xb6: {  	v3 =	vld [tilespmem:s26+$0x10]  }
0xb7: {  	v8 =	vld [tilespmem:s26+$0xFFFFFFC0]  }
0xb8: {  	v13 =	vld [tilespmem:s26+$0xFFFFFFD0]  }
0xb9: {  	v17 =	vld [tilespmem:s26+$0xFFFFFFE0]  }
0xba: {  	v18 =	vld [tilespmem:s26+$0xFFFFFFF0]  }
0xbb: {  	v19 =	vld [tilespmem:s26+$0x20]  }
0xbc: {  	v20 =	vld [tilespmem:s26+$0x30]  }
0xbd: {  	v1 =	vld.idx.msk [tilespmem:v1+s17+$0x0], $0xffff  }
0xbe: {  	v3 =	vld.idx.msk [tilespmem:v3+s17+$0x0], $0xffff  }
0xbf: {  	v12 =	vld.idx.msk [tilespmem:v8+s17+$0x0], $0xffff  }
0xc0: {  	v13 =	vld.idx.msk [tilespmem:v13+s17+$0x0], $0xffff  }
0xc1: {  	v4 =	vadd.f32 v11, v4;
	v5 =	vadd.f32 v14, v5;
	v14 =	vld.idx.msk [tilespmem:v17+s17+$0x0], $0xffff  }
0xc2: {  	v6 =	vadd.f32 v15, v6;
	v7 =	vadd.f32 v16, v7;
	v16 =	vld.idx.msk [tilespmem:v18+s17+$0x0], $0xffff  }
0xc3: {  	v4 =	vadd.f32 v0, v4;
	v5 =	vadd.f32 v2, v5;
	v8 =	vld.idx.msk [tilespmem:v19+s17+$0x0], $0xffff  }
0xc4: {  	s28 =	simm.s32 $0xC0;
	v6 =	vadd.f32 v9, v6;
	v7 =	vadd.f32 v10, v7;
	s26 =	simm.s32 $0x0;
	v10 =	vld.idx.msk [tilespmem:v20+s17+$0x0], $0xffff  }
.LBB2_10:
0xc5: {  	v0 =	vld [tilespmem:s28+$0x0]  }
0xc6: {  	v2 =	vld [tilespmem:s28+$0x10]  }
0xc7: {  	v4 =	vadd.f32 v12, v4;
	v5 =	vadd.f32 v13, v5;
	v9 =	vld [tilespmem:s28+$0xFFFFFFC0]  }
0xc8: {  	v6 =	vadd.f32 v14, v6;
	v7 =	vadd.f32 v16, v7;
	v11 =	vld [tilespmem:s28+$0xFFFFFFD0]  }
0xc9: {  	v4 =	vadd.f32 v1, v4;
	v5 =	vadd.f32 v3, v5;
	v14 =	vld [tilespmem:s28+$0xFFFFFFE0]  }
0xca: {  	s26 =	sadd.s32 $0x2, s26;
	v6 =	vadd.f32 v8, v6;
	v7 =	vadd.f32 v10, v7;
	v15 =	vld [tilespmem:s28+$0xFFFFFFF0]  }
0xcb: {  	p0 =	slt.u32 s26, $0x7E;
	v8 =	vld [tilespmem:s28+$0x20]  }
0xcc: {  	v10 =	vld [tilespmem:s28+$0x30]  }
0xcd: {  	v1 =	vld.idx.msk [tilespmem:v0+s17+$0x0], $0xffff  }
0xce: {  	v3 =	vld.idx.msk [tilespmem:v2+s17+$0x0], $0xffff  }
0xcf: {  	v12 =	vld.idx.msk [tilespmem:v9+s17+$0x0], $0xffff  }
.Ltmp4:
0xd0: {  	v13 =	vld.idx.msk [tilespmem:v11+s17+$0x0], $0xffff;
	(pc) =	sbr.rel @p0 .LBB2_10-.Ltmp4, $4  }
0xd1: {  	v14 =	vld.idx.msk [tilespmem:v14+s17+$0x0], $0xffff  }
0xd2: {  	v16 =	vld.idx.msk [tilespmem:v15+s17+$0x0], $0xffff  }
0xd3: {  	v8 =	vld.idx.msk [tilespmem:v8+s17+$0x0], $0xffff  }
0xd4: {  	s28 =	sadd.s32 $0x80, s28;
	v10 =	vld.idx.msk [tilespmem:v10+s17+$0x0], $0xffff  }
0xd5: {  	[tilespmem:s2], [sflag:$0x2] =	stream.strided.gather [hbm4b:s11+s15], $0x2000, s16, s15, $0x38;
	[tilespmem:$0x6100] =	vst v63  }
0xd6: {  	_ =	swait.ge [sflag:s23], $0x2000  }
0xd7: {  	[sflag:s23] =	ssyncset.done $0x0  }
0xd8: {  	s26 =	simm.s32 $0x2040;
	[sflag:s23] =	ssyncadd.s32 $0xFFFFE000  }
0xd9: {  	v0 =	vld [tilespmem:s26+$0x0]  }
0xda: {  	v2 =	vld [tilespmem:s26+$0x10]  }
0xdb: {  	v9 =	vld [tilespmem:s26+$0xFFFFFFC0]  }
0xdc: {  	v15 =	vld [tilespmem:s26+$0xFFFFFFD0]  }
0xdd: {  	v17 =	vld [tilespmem:s26+$0xFFFFFFE0]  }
0xde: {  	v18 =	vld [tilespmem:s26+$0xFFFFFFF0]  }
0xdf: {  	v19 =	vld [tilespmem:s26+$0x20]  }
0xe0: {  	v20 =	vld [tilespmem:s26+$0x30]  }
0xe1: {  	v0 =	vld.idx.msk [tilespmem:v0+s17+$0x0], $0xffff  }
0xe2: {  	v2 =	vld.idx.msk [tilespmem:v2+s17+$0x0], $0xffff  }
0xe3: {  	v11 =	vld.idx.msk [tilespmem:v9+s17+$0x0], $0xffff  }
0xe4: {  	v15 =	vld.idx.msk [tilespmem:v15+s17+$0x0], $0xffff  }
0xe5: {  	v4 =	vadd.f32 v12, v4;
	v5 =	vadd.f32 v13, v5;
	v12 =	vld.idx.msk [tilespmem:v17+s17+$0x0], $0xffff  }
0xe6: {  	v6 =	vadd.f32 v14, v6;
	v7 =	vadd.f32 v16, v7;
	v14 =	vld.idx.msk [tilespmem:v18+s17+$0x0], $0xffff  }
0xe7: {  	v4 =	vadd.f32 v1, v4;
	v5 =	vadd.f32 v3, v5;
	v9 =	vld.idx.msk [tilespmem:v19+s17+$0x0], $0xffff  }
0xe8: {  	s28 =	simm.s32 $0x20C0;
	v6 =	vadd.f32 v8, v6;
	v7 =	vadd.f32 v10, v7;
	s26 =	simm.s32 $0x0;
	v8 =	vld.idx.msk [tilespmem:v20+s17+$0x0], $0xffff  }
.LBB2_12:
0xe9: {  	v1 =	vld [tilespmem:s28+$0x0]  }
0xea: {  	v3 =	vld [tilespmem:s28+$0x10]  }
0xeb: {  	v4 =	vadd.f32 v11, v4;
	v5 =	vadd.f32 v15, v5;
	v10 =	vld [tilespmem:s28+$0xFFFFFFC0]  }
0xec: {  	v6 =	vadd.f32 v12, v6;
	v7 =	vadd.f32 v14, v7;
	v13 =	vld [tilespmem:s28+$0xFFFFFFD0]  }
0xed: {  	v4 =	vadd.f32 v0, v4;
	v5 =	vadd.f32 v2, v5;
	v12 =	vld [tilespmem:s28+$0xFFFFFFE0]  }
0xee: {  	s26 =	sadd.s32 $0x2, s26;
	v6 =	vadd.f32 v9, v6;
	v7 =	vadd.f32 v8, v7;
	v14 =	vld [tilespmem:s28+$0xFFFFFFF0]  }
0xef: {  	p0 =	slt.u32 s26, $0x7E;
	v8 =	vld [tilespmem:s28+$0x20]  }
0xf0: {  	v16 =	vld [tilespmem:s28+$0x30]  }
0xf1: {  	v0 =	vld.idx.msk [tilespmem:v1+s17+$0x0], $0xffff  }
0xf2: {  	v2 =	vld.idx.msk [tilespmem:v3+s17+$0x0], $0xffff  }
0xf3: {  	v11 =	vld.idx.msk [tilespmem:v10+s17+$0x0], $0xffff  }
.Ltmp5:
0xf4: {  	v15 =	vld.idx.msk [tilespmem:v13+s17+$0x0], $0xffff;
	(pc) =	sbr.rel @p0 .LBB2_12-.Ltmp5, $4  }
0xf5: {  	v12 =	vld.idx.msk [tilespmem:v12+s17+$0x0], $0xffff  }
0xf6: {  	v14 =	vld.idx.msk [tilespmem:v14+s17+$0x0], $0xffff  }
0xf7: {  	v9 =	vld.idx.msk [tilespmem:v8+s17+$0x0], $0xffff  }
0xf8: {  	s28 =	sadd.s32 $0x80, s28;
	v8 =	vld.idx.msk [tilespmem:v16+s17+$0x0], $0xffff  }
0xf9: {  	[tilespmem:s18], [sflag:$0x3] =	stream.strided.gather [hbm4b:s12+s15], $0x2000, s16, s15, $0x38;
	[tilespmem:$0x6100] =	vst v63  }
0xfa: {  	_ =	swait.ge [sflag:s22], $0x2000  }
0xfb: {  	[sflag:s22] =	ssyncset.done $0x0  }
0xfc: {  	s26 =	simm.s32 $0x40;
	[sflag:s22] =	ssyncadd.s32 $0xFFFFE000  }
0xfd: {  	v1 =	vld [tilespmem:s26+$0x0]  }
0xfe: {  	v3 =	vld [tilespmem:s26+$0x10]  }
0xff: {  	v10 =	vld [tilespmem:s26+$0xFFFFFFC0]  }
0x100: {  	v13 =	vld [tilespmem:s26+$0xFFFFFFD0]  }
0x101: {  	v16 =	vld [tilespmem:s26+$0xFFFFFFE0]  }
0x102: {  	v17 =	vld [tilespmem:s26+$0xFFFFFFF0]  }
0x103: {  	v18 =	vld [tilespmem:s26+$0x20]  }
0x104: {  	v19 =	vld [tilespmem:s26+$0x30]  }
0x105: {  	v1 =	vld.idx.msk [tilespmem:v1+s17+$0x0], $0xffff  }
0x106: {  	v3 =	vld.idx.msk [tilespmem:v3+s17+$0x0], $0xffff  }
0x107: {  	v10 =	vld.idx.msk [tilespmem:v10+s17+$0x0], $0xffff  }
0x108: {  	v13 =	vld.idx.msk [tilespmem:v13+s17+$0x0], $0xffff  }
0x109: {  	v4 =	vadd.f32 v11, v4;
	v5 =	vadd.f32 v15, v5;
	v11 =	vld.idx.msk [tilespmem:v16+s17+$0x0], $0xffff  }
0x10a: {  	v15 =	vadd.f32 v12, v6;
	v7 =	vadd.f32 v14, v7;
	v12 =	vld.idx.msk [tilespmem:v17+s17+$0x0], $0xffff  }
0x10b: {  	v0 =	vadd.f32 v0, v4;
	v2 =	vadd.f32 v2, v5;
	v6 =	vld.idx.msk [tilespmem:v18+s17+$0x0], $0xffff  }
0x10c: {  	s28 =	simm.s32 $0xC0;
	v4 =	vadd.f32 v9, v15;
	v5 =	vadd.f32 v8, v7;
	s26 =	simm.s32 $0x0;
	v9 =	vld.idx.msk [tilespmem:v19+s17+$0x0], $0xffff  }
.LBB2_14:
0x10d: {  	v7 =	vld [tilespmem:s28+$0x0]  }
0x10e: {  	v8 =	vld [tilespmem:s28+$0x10]  }
0x10f: {  	v0 =	vadd.f32 v10, v0;
	v2 =	vadd.f32 v13, v2;
	v14 =	vld [tilespmem:s28+$0xFFFFFFC0]  }
0x110: {  	v4 =	vadd.f32 v11, v4;
	v5 =	vadd.f32 v12, v5;
	v13 =	vld [tilespmem:s28+$0xFFFFFFD0]  }
0x111: {  	v0 =	vadd.f32 v1, v0;
	v2 =	vadd.f32 v3, v2;
	v11 =	vld [tilespmem:s28+$0xFFFFFFE0]  }
0x112: {  	s26 =	sadd.s32 $0x2, s26;
	v4 =	vadd.f32 v6, v4;
	v5 =	vadd.f32 v9, v5;
	v12 =	vld [tilespmem:s28+$0xFFFFFFF0]  }
0x113: {  	p0 =	slt.u32 s26, $0x7E;
	v6 =	vld [tilespmem:s28+$0x20]  }
0x114: {  	v9 =	vld [tilespmem:s28+$0x30]  }
0x115: {  	v1 =	vld.idx.msk [tilespmem:v7+s17+$0x0], $0xffff  }
0x116: {  	v3 =	vld.idx.msk [tilespmem:v8+s17+$0x0], $0xffff  }
0x117: {  	v10 =	vld.idx.msk [tilespmem:v14+s17+$0x0], $0xffff  }
.Ltmp6:
0x118: {  	v13 =	vld.idx.msk [tilespmem:v13+s17+$0x0], $0xffff;
	(pc) =	sbr.rel @p0 .LBB2_14-.Ltmp6, $4  }
0x119: {  	v11 =	vld.idx.msk [tilespmem:v11+s17+$0x0], $0xffff  }
0x11a: {  	v12 =	vld.idx.msk [tilespmem:v12+s17+$0x0], $0xffff  }
0x11b: {  	v6 =	vld.idx.msk [tilespmem:v6+s17+$0x0], $0xffff  }
0x11c: {  	s28 =	sadd.s32 $0x80, s28;
	v9 =	vld.idx.msk [tilespmem:v9+s17+$0x0], $0xffff  }
0x11d: {  	_ =	swait.ge [sflag:s23], $0x2000  }
0x11e: {  	[sflag:s23] =	ssyncset.done $0x0  }
0x11f: {  	s26 =	simm.s32 $0x2040;
	[sflag:s23] =	ssyncadd.s32 $0xFFFFE000  }
0x120: {  	v7 =	vld [tilespmem:s26+$0x0]  }
0x121: {  	v8 =	vld [tilespmem:s26+$0x10]  }
0x122: {  	v14 =	vld [tilespmem:s26+$0xFFFFFFC0]  }
0x123: {  	v15 =	vld [tilespmem:s26+$0xFFFFFFD0]  }
0x124: {  	v16 =	vld [tilespmem:s26+$0xFFFFFFE0]  }
0x125: {  	v17 =	vld [tilespmem:s26+$0xFFFFFFF0]  }
0x126: {  	v18 =	vld [tilespmem:s26+$0x20]  }
0x127: {  	v19 =	vld [tilespmem:s26+$0x30]  }
0x128: {  	v7 =	vld.idx.msk [tilespmem:v7+s17+$0x0], $0xffff  }
0x129: {  	v8 =	vld.idx.msk [tilespmem:v8+s17+$0x0], $0xffff  }
0x12a: {  	v14 =	vld.idx.msk [tilespmem:v14+s17+$0x0], $0xffff  }
0x12b: {  	v15 =	vld.idx.msk [tilespmem:v15+s17+$0x0], $0xffff  }
0x12c: {  	v0 =	vadd.f32 v10, v0;
	v2 =	vadd.f32 v13, v2;
	v10 =	vld.idx.msk [tilespmem:v16+s17+$0x0], $0xffff  }
0x12d: {  	v13 =	vadd.f32 v11, v4;
	v5 =	vadd.f32 v12, v5;
	v11 =	vld.idx.msk [tilespmem:v17+s17+$0x0], $0xffff  }
0x12e: {  	v0 =	vadd.f32 v1, v0;
	v1 =	vadd.f32 v3, v2;
	v4 =	vld.idx.msk [tilespmem:v18+s17+$0x0], $0xffff  }
0x12f: {  	s28 =	simm.s32 $0x20C0;
	v2 =	vadd.f32 v6, v13;
	s26 =	simm.s32 $0x0;
	v3 =	vadd.f32 v9, v5;
	v5 =	vld.idx.msk [tilespmem:v19+s17+$0x0], $0xffff  }
.LBB2_16:
0x130: {  	v6 =	vld [tilespmem:s28+$0x0]  }
0x131: {  	v9 =	vld [tilespmem:s28+$0x10]  }
0x132: {  	v0 =	vadd.f32 v14, v0;
	v1 =	vadd.f32 v15, v1;
	v12 =	vld [tilespmem:s28+$0xFFFFFFC0]  }
0x133: {  	v2 =	vadd.f32 v10, v2;
	v3 =	vadd.f32 v11, v3;
	v13 =	vld [tilespmem:s28+$0xFFFFFFD0]  }
0x134: {  	v0 =	vadd.f32 v7, v0;
	v1 =	vadd.f32 v8, v1;
	v10 =	vld [tilespmem:s28+$0xFFFFFFE0]  }
0x135: {  	s26 =	sadd.s32 $0x2, s26;
	v2 =	vadd.f32 v4, v2;
	v3 =	vadd.f32 v5, v3;
	v11 =	vld [tilespmem:s28+$0xFFFFFFF0]  }
0x136: {  	p0 =	slt.u32 s26, $0x7E;
	v4 =	vld [tilespmem:s28+$0x20]  }
0x137: {  	v5 =	vld [tilespmem:s28+$0x30]  }
0x138: {  	v7 =	vld.idx.msk [tilespmem:v6+s17+$0x0], $0xffff  }
0x139: {  	v8 =	vld.idx.msk [tilespmem:v9+s17+$0x0], $0xffff  }
0x13a: {  	v14 =	vld.idx.msk [tilespmem:v12+s17+$0x0], $0xffff  }
.Ltmp7:
0x13b: {  	v15 =	vld.idx.msk [tilespmem:v13+s17+$0x0], $0xffff;
	(pc) =	sbr.rel @p0 .LBB2_16-.Ltmp7, $4  }
0x13c: {  	v10 =	vld.idx.msk [tilespmem:v10+s17+$0x0], $0xffff  }
0x13d: {  	v11 =	vld.idx.msk [tilespmem:v11+s17+$0x0], $0xffff  }
0x13e: {  	v4 =	vld.idx.msk [tilespmem:v4+s17+$0x0], $0xffff  }
0x13f: {  	s28 =	sadd.s32 $0x80, s28;
	v5 =	vld.idx.msk [tilespmem:v5+s17+$0x0], $0xffff  }
0x140: {  	_ = 	snop  }
0x141: {  	v0 =	vadd.f32 v14, v0;
	v1 =	vadd.f32 v15, v1  }
0x142: {  	v2 =	vadd.f32 v10, v2;
	v3 =	vadd.f32 v11, v3  }
0x143: {  	v0 =	vadd.f32 v7, v0;
	v1 =	vadd.f32 v8, v1  }
0x144: {  	v2 =	vadd.f32 v4, v2;
	v3 =	vadd.f32 v5, v3  }
0x145: {  	v62 =	vld [tilespmem:$0x6000]  }
0x146: {  	v0 =	vadd.f32 v1, v0;
	v63 =	vadd.f32 v3, v2;
	_ =	sdelay $0x1  }
0x147: {  	v0 =	vadd.f32 v63, v0;
	_ =	sdelay $0x1  }
0x148: {  	s25 =	sadd.s32 $0x1, s25;
	v0 =	vmul.f32 v62, v0  }
0x149: {  	p0 =	sne.s32 s25, s14  }
.Ltmp8:
0x14a: {  	[tilespmem:$0x6080] =	vst v0;
	(pc) =	sbr.rel @p0 .LBB2_1-.Ltmp8, $4  }
0x14b: {  	[hbm4b:s13+s2] =	stream.linear.scatter [tilespmem:s24], [sflag:$0x4], $0x80, $0x38;
	[tilespmem:$0x6100] =	vst v63  }
0x14c: {  	_ =	swait.ge [sflag:s20], $0x80  }
0x14d: {  	[sflag:s20] =	ssyncset.done $0x0  }
0x14e: {  	[sflag:s20] =	ssyncadd.s32 $0xFFFFFF80  }
0x14f: {  	_ =	sfence.sel $0x180000  }
0x150: {  	[bflag:$0x0] =	sbarrier.arrive $0xFFFF  }
0x151: {  	p0 =	sne.s32 s1, $0x0;
	_ =	strace $0x90000047  }
0x152: {  	s0 =	sadd.s32 @!p0 $0x100000, s0;
	[bflag:$0x2] =	sbarrier.arrive $0xFFFF  }
0x153: {  	[sflag:s0] =	ssyncadd.tile.s32 @!p0 $0x1;
	_ =	shalt  }
.Lfunc_end2:
_tile_overlayer_lowered:
.L_overlay_start_2:
0x154: {  	(tag) =	ssettag $0x2  }
0x155: {  	s0 =	rddreg [dreg:$0x0];
	s2 =	stileid.u32  }
0x156: {  	s1 =	rddreg [dreg:$0x1];
	p0 =	sne.s32 s2, $0x0  }
0x157: {  	s3 =	rddreg [dreg:$0x2];
	[bflag:$0x3] =	sbarrier.arrive $0xFFFF;
	s2 =	simm.s32 @!p0 $0x1C04  }
0x158: {  	[timem:s3], [sflag:s2] =	dma.local @!p0 [hbm:s0], s1  }
0x159: {  	s0 =	simm.s32 @!p0 $0x4  }
0x15a: {  	_ =	swait.ge @!p0 [sflag:s0], s1  }
0x15b: {  	s1 =	ssub.s32 @!p0 $0x0, s1;
	[sflag:s0] =	ssyncset.done @!p0 $0x0  }
0x15c: {  	[sflag:s0] =	ssyncadd.s32 @!p0 s1  }
0x15d: {  	[bflag:$0x3] =	sbarrier.arrive $0xFFFF  }
0x15e: {  	_ =	shalt  }

</sc_bundles>
